<compile_context>
chip_gen: v7x
topology: tpu7x:2x2x1
jax: 0.10.2.dev20260603
libtpu: 0.0.44.dev20260713+nightly
codegen_flags: <defaults>
</compile_context>

<pallas_src>
import jax
import jax.numpy as jnp
from jax import lax
from jax.experimental import pallas as pl
from jax.experimental.pallas import tpu as pltpu
from jax.experimental.pallas import tpu_sc as plsc

BATCH = 16384
LANES = 16
CHUNK = 128

_info = plsc.get_sparse_core_info()
_NC, _NS = _info.num_cores, _info.num_subcores
NW = _NC * _NS
BPW = BATCH // NW
NCH = BPW // CHUNK


def _gather_body(idx_hbm, tab_hbm, base_hbm, out_hbm,
                 idx_v, g_v, b_v, sem, bsem):
    wid = lax.axis_index("s") * _NC + lax.axis_index("c")
    base = wid * BPW
    splat = base_hbm.shape[0] == LANES

    if splat:
        bcopy = pltpu.make_async_copy(base_hbm, b_v, bsem)
    else:
        bcopy = pltpu.make_async_copy(base_hbm.at[pl.ds(base, BPW)], b_v, bsem)
    bcopy.start()
    pltpu.sync_copy(idx_hbm.at[pl.ds(base, BPW)], idx_v)

    copies = []
    for j in range(NCH):
        sl = pl.ds(j * CHUNK, CHUNK)
        copies.append(pltpu.async_copy(tab_hbm.at[idx_v.at[sl]], g_v.at[sl], sem))
    for c in copies:
        c.wait()
    bcopy.wait()

    if splat:
        bv = b_v[...]
        for j in range(BPW // LANES):
            sl = pl.ds(j * LANES, LANES)
            g_v[sl] = g_v[sl] + bv
    else:
        for j in range(BPW // LANES):
            sl = pl.ds(j * LANES, LANES)
            g_v[sl] = g_v[sl] + b_v[sl]

    pltpu.sync_copy(g_v, out_hbm.at[pl.ds(base, BPW)])


def _make_gather(base_len):
    mesh = plsc.VectorSubcoreMesh(core_axis_name="c", subcore_axis_name="s")
    return pl.kernel(
        _gather_body,
        out_type=jax.ShapeDtypeStruct((BATCH,), jnp.float32),
        mesh=mesh,
        scratch_types=[
            pltpu.VMEM((BPW,), jnp.int32),
            pltpu.VMEM((BPW,), jnp.float32),
            pltpu.VMEM((base_len,), jnp.float32),
            pltpu.SemaphoreType.DMA,
            pltpu.SemaphoreType.DMA,
        ],
    )


@jax.jit
def _run(x, bu, bi, alfa):
    bu_flat = bu.reshape((bu.shape[0],))
    bi_flat = bi.reshape((bi.shape[0],))
    alfa_b = jnp.broadcast_to(alfa.reshape(()), (LANES,))
    partial = _make_gather(LANES)(x[:, 0], bu_flat, alfa_b)
    out = _make_gather(BPW)(x[:, 1], bi_flat, partial)
    return out.reshape((BATCH, 1))


def kernel(x, beta_u, beta_i, alfa):
    return _run(x.astype(jnp.int32), beta_u, beta_i, alfa)

# --- scband reference (transcript-rebuilt; emitter-appended) ---
"""Pipeline reference for scband-rec-sys-garbage-net-28930899706469 (READ-ONLY COPY).

The authoritative reference and input builder live on the scoring server;
editing this copy changes nothing except your own understanding.
"""

import jax, jax.numpy as jnp
import numpy as np

N_USER = 1000000
N_ITEM = 1000000
BATCH = 16384

def setup_inputs(seed: int = 0) -> dict:
    key = jax.random.key(seed)
    k1, k2, k3 = jax.random.split(key, 3)
    x = jax.random.randint(k1, (BATCH, 2), 0, N_USER, dtype=jnp.int64) if jax.config.jax_enable_x64 else jax.random.randint(k1, (BATCH, 2), 0, N_USER, dtype=jnp.int32)
    beta_u = jax.random.normal(k2, (N_USER, 1), dtype=jnp.float32) * 0.02
    beta_i = jax.random.normal(k3, (N_ITEM, 1), dtype=jnp.float32) * 0.02
    alfa = jnp.zeros((1, 1), dtype=jnp.float32)
    return {"x": x, "beta_u": beta_u, "beta_i": beta_i, "alfa": alfa}

def reference(x, beta_u, beta_i, alfa):
    # x[:, 0] -> user indices, x[:, 1] -> item indices
    u = jnp.take(beta_u, x[:, 0], axis=0)  # [B, 1]
    i = jnp.take(beta_i, x[:, 1], axis=0)  # [B, 1]
    out = u + i + alfa
    return out

if __name__ == "__main__":
    import jax
    _d = setup_inputs()
    print(jax.jit(kernel)(*tuple(_d.values())))

</pallas_src>

<mosaic_0001>
#map = affine_map<(d0, d1) -> (0)>
module attributes {stable_mosaic.version = 14 : i64} {
  func.func @_gather_body(%arg0: i32, %arg1: i32, %arg2: memref<16384xi32, #tpu.memory_space<hbm>>, %arg3: memref<1000000xf32, #tpu.memory_space<hbm>>, %arg4: memref<16xf32, #tpu.memory_space<hbm>>, %arg5: memref<16384xf32, #tpu.memory_space<hbm>>, %arg6: memref<512xi32, #tpu.memory_space<vmem>>, %arg7: memref<512xf32, #tpu.memory_space<vmem>>, %arg8: memref<16xf32, #tpu.memory_space<vmem>>, %arg9: memref<!tpu.dma_semaphore, #tpu.memory_space<semaphore_mem>>, %arg10: memref<!tpu.dma_semaphore, #tpu.memory_space<semaphore_mem>>) attributes {dimension_semantics = [#tpu.dimension_semantics<core_parallel>, #tpu.dimension_semantics<subcore_parallel>], iteration_bounds = array<i64: 2, 16>, scalar_prefetch = 0 : i64, scratch_operands = 5 : i64, tpu.core_type = #tpu.core_type<sc_vector_subcore>, window_params = [{transform_indices = #map}, {transform_indices = #map}, {transform_indices = #map}, {transform_indices = #map}]} {
    %mul3A = arith.constant 2 : i32
    %mul3A_0 = arith.muli %arg1, %mul3A : i32
    %add3A = arith.addi %mul3A_0, %arg0 : i32
    %mul3A_1 = arith.constant 512 : i32
    %mul3A_2 = arith.muli %add3A, %mul3A_1 : i32
    tpu.enqueue_dma source(%arg4 : memref<16xf32, #tpu.memory_space<hbm>>) target(%arg8 : memref<16xf32, #tpu.memory_space<vmem>>) target_semaphore(%arg10 : memref<!tpu.dma_semaphore, #tpu.memory_space<semaphore_mem>>)
    "tpu.region"() ({
      %run_scoped3A = tpu.sem_alloc : memref<!tpu.dma_semaphore, #tpu.memory_space<semaphore_mem>>
      %dma_start3A_306 = tpu.memref_slice %arg2[%mul3A_2] : memref<16384xi32, #tpu.memory_space<hbm>> -> memref<512xi32, #tpu.memory_space<hbm>>
      %dma_start3A_307 = tpu.memref_slice %arg2[%mul3A_2] : memref<16384xi32, #tpu.memory_space<hbm>> -> memref<512xi32, #tpu.memory_space<hbm>>
      tpu.enqueue_dma source(%dma_start3A_307 : memref<512xi32, #tpu.memory_space<hbm>>) target(%arg6 : memref<512xi32, #tpu.memory_space<vmem>>) target_semaphore(%run_scoped3A : memref<!tpu.dma_semaphore, #tpu.memory_space<semaphore_mem>>)
      %dma_wait3A_308 = tpu.memref_slice %arg2[%mul3A_2] : memref<16384xi32, #tpu.memory_space<hbm>> -> memref<512xi32, #tpu.memory_space<hbm>>
      %dma_wait3A_309 = tpu.memref_slice %arg2[%mul3A_2] : memref<16384xi32, #tpu.memory_space<hbm>> -> memref<512xi32, #tpu.memory_space<hbm>>
      tpu.wait_dma2 semaphore(%run_scoped3A : memref<!tpu.dma_semaphore, #tpu.memory_space<semaphore_mem>>) src(%dma_wait3A_309 : memref<512xi32, #tpu.memory_space<hbm>>) dst(%arg6 : memref<512xi32, #tpu.memory_space<vmem>>)
      tpu.yield
    }) : () -> ()
    %dma_start3A = arith.constant 0 : i32
    %dma_start3A_3 = tpu.memref_slice %arg7[%dma_start3A] : memref<512xf32, #tpu.memory_space<vmem>> -> memref<128xf32, #tpu.memory_space<vmem>>
    %dma_start3A_4 = arith.constant 0 : i32
    %dma_start3A_5 = tpu.memref_slice %arg6[%dma_start3A_4] : memref<512xi32, #tpu.memory_space<vmem>> -> memref<128xi32, #tpu.memory_space<vmem>>
    %dma_start3A_6 = arith.constant 0 : i32
    %dma_start3A_7 = tpu.memref_slice %arg3[%dma_start3A_6] : memref<1000000xf32, #tpu.memory_space<hbm>> -> memref<1000000xf32, #tpu.memory_space<hbm>>
    tpu.enqueue_indirect_dma source(%dma_start3A_7 : memref<1000000xf32, #tpu.memory_space<hbm>>) target(%dma_start3A_3 : memref<128xf32, #tpu.memory_space<vmem>>) offsets(%dma_start3A_5 : memref<128xi32, #tpu.memory_space<vmem>>) semaphore(%arg9 : memref<!tpu.dma_semaphore, #tpu.memory_space<semaphore_mem>>)
    %dma_start3A_8 = arith.constant 128 : i32
    %dma_start3A_9 = tpu.memref_slice %arg7[%dma_start3A_8] : memref<512xf32, #tpu.memory_space<vmem>> -> memref<128xf32, #tpu.memory_space<vmem>>
    %dma_start3A_10 = arith.constant 128 : i32
    %dma_start3A_11 = tpu.memref_slice %arg6[%dma_start3A_10] : memref<512xi32, #tpu.memory_space<vmem>> -> memref<128xi32, #tpu.memory_space<vmem>>
    %dma_start3A_12 = arith.constant 0 : i32
    %dma_start3A_13 = tpu.memref_slice %arg3[%dma_start3A_12] : memref<1000000xf32, #tpu.memory_space<hbm>> -> memref<1000000xf32, #tpu.memory_space<hbm>>
    tpu.enqueue_indirect_dma source(%dma_start3A_13 : memref<1000000xf32, #tpu.memory_space<hbm>>) target(%dma_start3A_9 : memref<128xf32, #tpu.memory_space<vmem>>) offsets(%dma_start3A_11 : memref<128xi32, #tpu.memory_space<vmem>>) semaphore(%arg9 : memref<!tpu.dma_semaphore, #tpu.memory_space<semaphore_mem>>)
    %dma_start3A_14 = arith.constant 256 : i32
    %dma_start3A_15 = tpu.memref_slice %arg7[%dma_start3A_14] : memref<512xf32, #tpu.memory_space<vmem>> -> memref<128xf32, #tpu.memory_space<vmem>>
    %dma_start3A_16 = arith.constant 256 : i32
    %dma_start3A_17 = tpu.memref_slice %arg6[%dma_start3A_16] : memref<512xi32, #tpu.memory_space<vmem>> -> memref<128xi32, #tpu.memory_space<vmem>>
    %dma_start3A_18 = arith.constant 0 : i32
    %dma_start3A_19 = tpu.memref_slice %arg3[%dma_start3A_18] : memref<1000000xf32, #tpu.memory_space<hbm>> -> memref<1000000xf32, #tpu.memory_space<hbm>>
    tpu.enqueue_indirect_dma source(%dma_start3A_19 : memref<1000000xf32, #tpu.memory_space<hbm>>) target(%dma_start3A_15 : memref<128xf32, #tpu.memory_space<vmem>>) offsets(%dma_start3A_17 : memref<128xi32, #tpu.memory_space<vmem>>) semaphore(%arg9 : memref<!tpu.dma_semaphore, #tpu.memory_space<semaphore_mem>>)
    %dma_start3A_20 = arith.constant 384 : i32
    %dma_start3A_21 = tpu.memref_slice %arg7[%dma_start3A_20] : memref<512xf32, #tpu.memory_space<vmem>> -> memref<128xf32, #tpu.memory_space<vmem>>
    %dma_start3A_22 = arith.constant 384 : i32
    %dma_start3A_23 = tpu.memref_slice %arg6[%dma_start3A_22] : memref<512xi32, #tpu.memory_space<vmem>> -> memref<128xi32, #tpu.memory_space<vmem>>
    %dma_start3A_24 = arith.constant 0 : i32
    %dma_start3A_25 = tpu.memref_slice %arg3[%dma_start3A_24] : memref<1000000xf32, #tpu.memory_space<hbm>> -> memref<1000000xf32, #tpu.memory_space<hbm>>
    tpu.enqueue_indirect_dma source(%dma_start3A_25 : memref<1000000xf32, #tpu.memory_space<hbm>>) target(%dma_start3A_21 : memref<128xf32, #tpu.memory_space<vmem>>) offsets(%dma_start3A_23 : memref<128xi32, #tpu.memory_space<vmem>>) semaphore(%arg9 : memref<!tpu.dma_semaphore, #tpu.memory_space<semaphore_mem>>)
    %dma_wait3A = arith.constant 0 : i32
    %dma_wait3A_26 = tpu.memref_slice %arg7[%dma_wait3A] : memref<512xf32, #tpu.memory_space<vmem>> -> memref<128xf32, #tpu.memory_space<vmem>>
    %dma_wait3A_27 = arith.constant 0 : i32
    %dma_wait3A_28 = tpu.memref_slice %arg6[%dma_wait3A_27] : memref<512xi32, #tpu.memory_space<vmem>> -> memref<128xi32, #tpu.memory_space<vmem>>
    %dma_wait3A_29 = arith.constant 0 : i32
    %dma_wait3A_30 = tpu.memref_slice %arg3[%dma_wait3A_29] : memref<1000000xf32, #tpu.memory_space<hbm>> -> memref<1000000xf32, #tpu.memory_space<hbm>>
    tpu.wait_indirect_dma semaphore(%arg9 : memref<!tpu.dma_semaphore, #tpu.memory_space<semaphore_mem>>) src(%dma_wait3A_30 : memref<1000000xf32, #tpu.memory_space<hbm>>) dst(%dma_wait3A_26 : memref<128xf32, #tpu.memory_space<vmem>>)
    %dma_wait3A_31 = arith.constant 128 : i32
    %dma_wait3A_32 = tpu.memref_slice %arg7[%dma_wait3A_31] : memref<512xf32, #tpu.memory_space<vmem>> -> memref<128xf32, #tpu.memory_space<vmem>>
    %dma_wait3A_33 = arith.constant 128 : i32
    %dma_wait3A_34 = tpu.memref_slice %arg6[%dma_wait3A_33] : memref<512xi32, #tpu.memory_space<vmem>> -> memref<128xi32, #tpu.memory_space<vmem>>
    %dma_wait3A_35 = arith.constant 0 : i32
    %dma_wait3A_36 = tpu.memref_slice %arg3[%dma_wait3A_35] : memref<1000000xf32, #tpu.memory_space<hbm>> -> memref<1000000xf32, #tpu.memory_space<hbm>>
    tpu.wait_indirect_dma semaphore(%arg9 : memref<!tpu.dma_semaphore, #tpu.memory_space<semaphore_mem>>) src(%dma_wait3A_36 : memref<1000000xf32, #tpu.memory_space<hbm>>) dst(%dma_wait3A_32 : memref<128xf32, #tpu.memory_space<vmem>>)
    %dma_wait3A_37 = arith.constant 256 : i32
    %dma_wait3A_38 = tpu.memref_slice %arg7[%dma_wait3A_37] : memref<512xf32, #tpu.memory_space<vmem>> -> memref<128xf32, #tpu.memory_space<vmem>>
    %dma_wait3A_39 = arith.constant 256 : i32
    %dma_wait3A_40 = tpu.memref_slice %arg6[%dma_wait3A_39] : memref<512xi32, #tpu.memory_space<vmem>> -> memref<128xi32, #tpu.memory_space<vmem>>
    %dma_wait3A_41 = arith.constant 0 : i32
    %dma_wait3A_42 = tpu.memref_slice %arg3[%dma_wait3A_41] : memref<1000000xf32, #tpu.memory_space<hbm>> -> memref<1000000xf32, #tpu.memory_space<hbm>>
    tpu.wait_indirect_dma semaphore(%arg9 : memref<!tpu.dma_semaphore, #tpu.memory_space<semaphore_mem>>) src(%dma_wait3A_42 : memref<1000000xf32, #tpu.memory_space<hbm>>) dst(%dma_wait3A_38 : memref<128xf32, #tpu.memory_space<vmem>>)
    %dma_wait3A_43 = arith.constant 384 : i32
    %dma_wait3A_44 = tpu.memref_slice %arg7[%dma_wait3A_43] : memref<512xf32, #tpu.memory_space<vmem>> -> memref<128xf32, #tpu.memory_space<vmem>>
    %dma_wait3A_45 = arith.constant 384 : i32
    %dma_wait3A_46 = tpu.memref_slice %arg6[%dma_wait3A_45] : memref<512xi32, #tpu.memory_space<vmem>> -> memref<128xi32, #tpu.memory_space<vmem>>
    %dma_wait3A_47 = arith.constant 0 : i32
    %dma_wait3A_48 = tpu.memref_slice %arg3[%dma_wait3A_47] : memref<1000000xf32, #tpu.memory_space<hbm>> -> memref<1000000xf32, #tpu.memory_space<hbm>>
    tpu.wait_indirect_dma semaphore(%arg9 : memref<!tpu.dma_semaphore, #tpu.memory_space<semaphore_mem>>) src(%dma_wait3A_48 : memref<1000000xf32, #tpu.memory_space<hbm>>) dst(%dma_wait3A_44 : memref<128xf32, #tpu.memory_space<vmem>>)
    tpu.wait_dma2 semaphore(%arg10 : memref<!tpu.dma_semaphore, #tpu.memory_space<semaphore_mem>>) src(%arg4 : memref<16xf32, #tpu.memory_space<hbm>>) dst(%arg8 : memref<16xf32, #tpu.memory_space<vmem>>)
    %get3A = arith.constant 0 : index
    %get3A_49 = tpu.vector_load %arg8[%get3A] {strides = array<i32>} : memref<16xf32, #tpu.memory_space<vmem>>, vector<16xf32>,
    %get3A_50 = vector.shape_cast %get3A_49 : vector<16xf32> to vector<16xf32>
    %get3A_51 = arith.constant 0 : index
    %get3A_52 = tpu.vector_load %arg7[%get3A_51] {strides = array<i32>} : memref<512xf32, #tpu.memory_space<vmem>>, vector<16xf32>,
    %get3A_53 = vector.shape_cast %get3A_52 : vector<16xf32> to vector<16xf32>
    %add3A_54 = arith.addf %get3A_53, %get3A_50 : vector<16xf32>
    %swap3A = arith.constant 0 : index
    %swap3A_55 = tpu.vector_load %arg7[%swap3A] {strides = array<i32>} : memref<512xf32, #tpu.memory_space<vmem>>, vector<16xf32>,
    %swap3A_56 = vector.shape_cast %swap3A_55 : vector<16xf32> to vector<16xf32>
    %swap3A_57 = vector.shape_cast %add3A_54 : vector<16xf32> to vector<16xf32>
    tpu.vector_store %arg7[%swap3A], %swap3A_57 {strides = array<i32>} : memref<512xf32, #tpu.memory_space<vmem>>, vector<16xf32>,
    %get3A_58 = arith.constant 16 : index
    %get3A_59 = tpu.vector_load %arg7[%get3A_58] {strides = array<i32>} : memref<512xf32, #tpu.memory_space<vmem>>, vector<16xf32>,
    %get3A_60 = vector.shape_cast %get3A_59 : vector<16xf32> to vector<16xf32>
    %add3A_61 = arith.addf %get3A_60, %get3A_50 : vector<16xf32>
    %swap3A_62 = arith.constant 16 : index
    %swap3A_63 = tpu.vector_load %arg7[%swap3A_62] {strides = array<i32>} : memref<512xf32, #tpu.memory_space<vmem>>, vector<16xf32>,
    %swap3A_64 = vector.shape_cast %swap3A_63 : vector<16xf32> to vector<16xf32>
    %swap3A_65 = vector.shape_cast %add3A_61 : vector<16xf32> to vector<16xf32>
    tpu.vector_store %arg7[%swap3A_62], %swap3A_65 {strides = array<i32>} : memref<512xf32, #tpu.memory_space<vmem>>, vector<16xf32>,
    %get3A_66 = arith.constant 32 : index
    %get3A_67 = tpu.vector_load %arg7[%get3A_66] {strides = array<i32>} : memref<512xf32, #tpu.memory_space<vmem>>, vector<16xf32>,
    %get3A_68 = vector.shape_cast %get3A_67 : vector<16xf32> to vector<16xf32>
    %add3A_69 = arith.addf %get3A_68, %get3A_50 : vector<16xf32>
    %swap3A_70 = arith.constant 32 : index
    %swap3A_71 = tpu.vector_load %arg7[%swap3A_70] {strides = array<i32>} : memref<512xf32, #tpu.memory_space<vmem>>, vector<16xf32>,
    %swap3A_72 = vector.shape_cast %swap3A_71 : vector<16xf32> to vector<16xf32>
    %swap3A_73 = vector.shape_cast %add3A_69 : vector<16xf32> to vector<16xf32>
    tpu.vector_store %arg7[%swap3A_70], %swap3A_73 {strides = array<i32>} : memref<512xf32, #tpu.memory_space<vmem>>, vector<16xf32>,
    %get3A_74 = arith.constant 48 : index
    %get3A_75 = tpu.vector_load %arg7[%get3A_74] {strides = array<i32>} : memref<512xf32, #tpu.memory_space<vmem>>, vector<16xf32>,
    %get3A_76 = vector.shape_cast %get3A_75 : vector<16xf32> to vector<16xf32>
    %add3A_77 = arith.addf %get3A_76, %get3A_50 : vector<16xf32>
    %swap3A_78 = arith.constant 48 : index
    %swap3A_79 = tpu.vector_load %arg7[%swap3A_78] {strides = array<i32>} : memref<512xf32, #tpu.memory_space<vmem>>, vector<16xf32>,
    %swap3A_80 = vector.shape_cast %swap3A_79 : vector<16xf32> to vector<16xf32>
    %swap3A_81 = vector.shape_cast %add3A_77 : vector<16xf32> to vector<16xf32>
    tpu.vector_store %arg7[%swap3A_78], %swap3A_81 {strides = array<i32>} : memref<512xf32, #tpu.memory_space<vmem>>, vector<16xf32>,
    %get3A_82 = arith.constant 64 : index
    %get3A_83 = tpu.vector_load %arg7[%get3A_82] {strides = array<i32>} : memref<512xf32, #tpu.memory_space<vmem>>, vector<16xf32>,
    %get3A_84 = vector.shape_cast %get3A_83 : vector<16xf32> to vector<16xf32>
    %add3A_85 = arith.addf %get3A_84, %get3A_50 : vector<16xf32>
    %swap3A_86 = arith.constant 64 : index
    %swap3A_87 = tpu.vector_load %arg7[%swap3A_86] {strides = array<i32>} : memref<512xf32, #tpu.memory_space<vmem>>, vector<16xf32>,
    %swap3A_88 = vector.shape_cast %swap3A_87 : vector<16xf32> to vector<16xf32>
    %swap3A_89 = vector.shape_cast %add3A_85 : vector<16xf32> to vector<16xf32>
    tpu.vector_store %arg7[%swap3A_86], %swap3A_89 {strides = array<i32>} : memref<512xf32, #tpu.memory_space<vmem>>, vector<16xf32>,
    %get3A_90 = arith.constant 80 : index
    %get3A_91 = tpu.vector_load %arg7[%get3A_90] {strides = array<i32>} : memref<512xf32, #tpu.memory_space<vmem>>, vector<16xf32>,
    %get3A_92 = vector.shape_cast %get3A_91 : vector<16xf32> to vector<16xf32>
    %add3A_93 = arith.addf %get3A_92, %get3A_50 : vector<16xf32>
    %swap3A_94 = arith.constant 80 : index
    %swap3A_95 = tpu.vector_load %arg7[%swap3A_94] {strides = array<i32>} : memref<512xf32, #tpu.memory_space<vmem>>, vector<16xf32>,
    %swap3A_96 = vector.shape_cast %swap3A_95 : vector<16xf32> to vector<16xf32>
    %swap3A_97 = vector.shape_cast %add3A_93 : vector<16xf32> to vector<16xf32>
    tpu.vector_store %arg7[%swap3A_94], %swap3A_97 {strides = array<i32>} : memref<512xf32, #tpu.memory_space<vmem>>, vector<16xf32>,
    %get3A_98 = arith.constant 96 : index
    %get3A_99 = tpu.vector_load %arg7[%get3A_98] {strides = array<i32>} : memref<512xf32, #tpu.memory_space<vmem>>, vector<16xf32>,
    %get3A_100 = vector.shape_cast %get3A_99 : vector<16xf32> to vector<16xf32>
    %add3A_101 = arith.addf %get3A_100, %get3A_50 : vector<16xf32>
    %swap3A_102 = arith.constant 96 : index
    %swap3A_103 = tpu.vector_load %arg7[%swap3A_102] {strides = array<i32>} : memref<512xf32, #tpu.memory_space<vmem>>, vector<16xf32>,
    %swap3A_104 = vector.shape_cast %swap3A_103 : vector<16xf32> to vector<16xf32>
    %swap3A_105 = vector.shape_cast %add3A_101 : vector<16xf32> to vector<16xf32>
    tpu.vector_store %arg7[%swap3A_102], %swap3A_105 {strides = array<i32>} : memref<512xf32, #tpu.memory_space<vmem>>, vector<16xf32>,
    %get3A_106 = arith.constant 112 : index
    %get3A_107 = tpu.vector_load %arg7[%get3A_106] {strides = array<i32>} : memref<512xf32, #tpu.memory_space<vmem>>, vector<16xf32>,
    %get3A_108 = vector.shape_cast %get3A_107 : vector<16xf32> to vector<16xf32>
    %add3A_109 = arith.addf %get3A_108, %get3A_50 : vector<16xf32>
    %swap3A_110 = arith.constant 112 : index
    %swap3A_111 = tpu.vector_load %arg7[%swap3A_110] {strides = array<i32>} : memref<512xf32, #tpu.memory_space<vmem>>, vector<16xf32>,
    %swap3A_112 = vector.shape_cast %swap3A_111 : vector<16xf32> to vector<16xf32>
    %swap3A_113 = vector.shape_cast %add3A_109 : vector<16xf32> to vector<16xf32>
    tpu.vector_store %arg7[%swap3A_110], %swap3A_113 {strides = array<i32>} : memref<512xf32, #tpu.memory_space<vmem>>, vector<16xf32>,
    %get3A_114 = arith.constant 128 : index
    %get3A_115 = tpu.vector_load %arg7[%get3A_114] {strides = array<i32>} : memref<512xf32, #tpu.memory_space<vmem>>, vector<16xf32>,
    %get3A_116 = vector.shape_cast %get3A_115 : vector<16xf32> to vector<16xf32>
    %add3A_117 = arith.addf %get3A_116, %get3A_50 : vector<16xf32>
    %swap3A_118 = arith.constant 128 : index
    %swap3A_119 = tpu.vector_load %arg7[%swap3A_118] {strides = array<i32>} : memref<512xf32, #tpu.memory_space<vmem>>, vector<16xf32>,
    %swap3A_120 = vector.shape_cast %swap3A_119 : vector<16xf32> to vector<16xf32>
    %swap3A_121 = vector.shape_cast %add3A_117 : vector<16xf32> to vector<16xf32>
    tpu.vector_store %arg7[%swap3A_118], %swap3A_121 {strides = array<i32>} : memref<512xf32, #tpu.memory_space<vmem>>, vector<16xf32>,
    %get3A_122 = arith.constant 144 : index
    %get3A_123 = tpu.vector_load %arg7[%get3A_122] {strides = array<i32>} : memref<512xf32, #tpu.memory_space<vmem>>, vector<16xf32>,
    %get3A_124 = vector.shape_cast %get3A_123 : vector<16xf32> to vector<16xf32>
    %add3A_125 = arith.addf %get3A_124, %get3A_50 : vector<16xf32>
    %swap3A_126 = arith.constant 144 : index
    %swap3A_127 = tpu.vector_load %arg7[%swap3A_126] {strides = array<i32>} : memref<512xf32, #tpu.memory_space<vmem>>, vector<16xf32>,
    %swap3A_128 = vector.shape_cast %swap3A_127 : vector<16xf32> to vector<16xf32>
    %swap3A_129 = vector.shape_cast %add3A_125 : vector<16xf32> to vector<16xf32>
    tpu.vector_store %arg7[%swap3A_126], %swap3A_129 {strides = array<i32>} : memref<512xf32, #tpu.memory_space<vmem>>, vector<16xf32>,
    %get3A_130 = arith.constant 160 : index
    %get3A_131 = tpu.vector_load %arg7[%get3A_130] {strides = array<i32>} : memref<512xf32, #tpu.memory_space<vmem>>, vector<16xf32>,
    %get3A_132 = vector.shape_cast %get3A_131 : vector<16xf32> to vector<16xf32>
    %add3A_133 = arith.addf %get3A_132, %get3A_50 : vector<16xf32>
    %swap3A_134 = arith.constant 160 : index
    %swap3A_135 = tpu.vector_load %arg7[%swap3A_134] {strides = array<i32>} : memref<512xf32, #tpu.memory_space<vmem>>, vector<16xf32>,
    %swap3A_136 = vector.shape_cast %swap3A_135 : vector<16xf32> to vector<16xf32>
    %swap3A_137 = vector.shape_cast %add3A_133 : vector<16xf32> to vector<16xf32>
    tpu.vector_store %arg7[%swap3A_134], %swap3A_137 {strides = array<i32>} : memref<512xf32, #tpu.memory_space<vmem>>, vector<16xf32>,
    %get3A_138 = arith.constant 176 : index
    %get3A_139 = tpu.vector_load %arg7[%get3A_138] {strides = array<i32>} : memref<512xf32, #tpu.memory_space<vmem>>, vector<16xf32>,
    %get3A_140 = vector.shape_cast %get3A_139 : vector<16xf32> to vector<16xf32>
    %add3A_141 = arith.addf %get3A_140, %get3A_50 : vector<16xf32>
    %swap3A_142 = arith.constant 176 : index
    %swap3A_143 = tpu.vector_load %arg7[%swap3A_142] {strides = array<i32>} : memref<512xf32, #tpu.memory_space<vmem>>, vector<16xf32>,
    %swap3A_144 = vector.shape_cast %swap3A_143 : vector<16xf32> to vector<16xf32>
    %swap3A_145 = vector.shape_cast %add3A_141 : vector<16xf32> to vector<16xf32>
    tpu.vector_store %arg7[%swap3A_142], %swap3A_145 {strides = array<i32>} : memref<512xf32, #tpu.memory_space<vmem>>, vector<16xf32>,
    %get3A_146 = arith.constant 192 : index
    %get3A_147 = tpu.vector_load %arg7[%get3A_146] {strides = array<i32>} : memref<512xf32, #tpu.memory_space<vmem>>, vector<16xf32>,
    %get3A_148 = vector.shape_cast %get3A_147 : vector<16xf32> to vector<16xf32>
    %add3A_149 = arith.addf %get3A_148, %get3A_50 : vector<16xf32>
    %swap3A_150 = arith.constant 192 : index
    %swap3A_151 = tpu.vector_load %arg7[%swap3A_150] {strides = array<i32>} : memref<512xf32, #tpu.memory_space<vmem>>, vector<16xf32>,
    %swap3A_152 = vector.shape_cast %swap3A_151 : vector<16xf32> to vector<16xf32>
    %swap3A_153 = vector.shape_cast %add3A_149 : vector<16xf32> to vector<16xf32>
    tpu.vector_store %arg7[%swap3A_150], %swap3A_153 {strides = array<i32>} : memref<512xf32, #tpu.memory_space<vmem>>, vector<16xf32>,
    %get3A_154 = arith.constant 208 : index
    %get3A_155 = tpu.vector_load %arg7[%get3A_154] {strides = array<i32>} : memref<512xf32, #tpu.memory_space<vmem>>, vector<16xf32>,
    %get3A_156 = vector.shape_cast %get3A_155 : vector<16xf32> to vector<16xf32>
    %add3A_157 = arith.addf %get3A_156, %get3A_50 : vector<16xf32>
    %swap3A_158 = arith.constant 208 : index
    %swap3A_159 = tpu.vector_load %arg7[%swap3A_158] {strides = array<i32>} : memref<512xf32, #tpu.memory_space<vmem>>, vector<16xf32>,
    %swap3A_160 = vector.shape_cast %swap3A_159 : vector<16xf32> to vector<16xf32>
    %swap3A_161 = vector.shape_cast %add3A_157 : vector<16xf32> to vector<16xf32>
    tpu.vector_store %arg7[%swap3A_158], %swap3A_161 {strides = array<i32>} : memref<512xf32, #tpu.memory_space<vmem>>, vector<16xf32>,
    %get3A_162 = arith.constant 224 : index
    %get3A_163 = tpu.vector_load %arg7[%get3A_162] {strides = array<i32>} : memref<512xf32, #tpu.memory_space<vmem>>, vector<16xf32>,
    %get3A_164 = vector.shape_cast %get3A_163 : vector<16xf32> to vector<16xf32>
    %add3A_165 = arith.addf %get3A_164, %get3A_50 : vector<16xf32>
    %swap3A_166 = arith.constant 224 : index
    %swap3A_167 = tpu.vector_load %arg7[%swap3A_166] {strides = array<i32>} : memref<512xf32, #tpu.memory_space<vmem>>, vector<16xf32>,
    %swap3A_168 = vector.shape_cast %swap3A_167 : vector<16xf32> to vector<16xf32>
    %swap3A_169 = vector.shape_cast %add3A_165 : vector<16xf32> to vector<16xf32>
    tpu.vector_store %arg7[%swap3A_166], %swap3A_169 {strides = array<i32>} : memref<512xf32, #tpu.memory_space<vmem>>, vector<16xf32>,
    %get3A_170 = arith.constant 240 : index
    %get3A_171 = tpu.vector_load %arg7[%get3A_170] {strides = array<i32>} : memref<512xf32, #tpu.memory_space<vmem>>, vector<16xf32>,
    %get3A_172 = vector.shape_cast %get3A_171 : vector<16xf32> to vector<16xf32>
    %add3A_173 = arith.addf %get3A_172, %get3A_50 : vector<16xf32>
    %swap3A_174 = arith.constant 240 : index
    %swap3A_175 = tpu.vector_load %arg7[%swap3A_174] {strides = array<i32>} : memref<512xf32, #tpu.memory_space<vmem>>, vector<16xf32>,
    %swap3A_176 = vector.shape_cast %swap3A_175 : vector<16xf32> to vector<16xf32>
    %swap3A_177 = vector.shape_cast %add3A_173 : vector<16xf32> to vector<16xf32>
    tpu.vector_store %arg7[%swap3A_174], %swap3A_177 {strides = array<i32>} : memref<512xf32, #tpu.memory_space<vmem>>, vector<16xf32>,
    %get3A_178 = arith.constant 256 : index
    %get3A_179 = tpu.vector_load %arg7[%get3A_178] {strides = array<i32>} : memref<512xf32, #tpu.memory_space<vmem>>, vector<16xf32>,
    %get3A_180 = vector.shape_cast %get3A_179 : vector<16xf32> to vector<16xf32>
    %add3A_181 = arith.addf %get3A_180, %get3A_50 : vector<16xf32>
    %swap3A_182 = arith.constant 256 : index
    %swap3A_183 = tpu.vector_load %arg7[%swap3A_182] {strides = array<i32>} : memref<512xf32, #tpu.memory_space<vmem>>, vector<16xf32>,
    %swap3A_184 = vector.shape_cast %swap3A_183 : vector<16xf32> to vector<16xf32>
    %swap3A_185 = vector.shape_cast %add3A_181 : vector<16xf32> to vector<16xf32>
    tpu.vector_store %arg7[%swap3A_182], %swap3A_185 {strides = array<i32>} : memref<512xf32, #tpu.memory_space<vmem>>, vector<16xf32>,
    %get3A_186 = arith.constant 272 : index
    %get3A_187 = tpu.vector_load %arg7[%get3A_186] {strides = array<i32>} : memref<512xf32, #tpu.memory_space<vmem>>, vector<16xf32>,
    %get3A_188 = vector.shape_cast %get3A_187 : vector<16xf32> to vector<16xf32>
    %add3A_189 = arith.addf %get3A_188, %get3A_50 : vector<16xf32>
    %swap3A_190 = arith.constant 272 : index
    %swap3A_191 = tpu.vector_load %arg7[%swap3A_190] {strides = array<i32>} : memref<512xf32, #tpu.memory_space<vmem>>, vector<16xf32>,
    %swap3A_192 = vector.shape_cast %swap3A_191 : vector<16xf32> to vector<16xf32>
    %swap3A_193 = vector.shape_cast %add3A_189 : vector<16xf32> to vector<16xf32>
    tpu.vector_store %arg7[%swap3A_190], %swap3A_193 {strides = array<i32>} : memref<512xf32, #tpu.memory_space<vmem>>, vector<16xf32>,
    %get3A_194 = arith.constant 288 : index
    %get3A_195 = tpu.vector_load %arg7[%get3A_194] {strides = array<i32>} : memref<512xf32, #tpu.memory_space<vmem>>, vector<16xf32>,
    %get3A_196 = vector.shape_cast %get3A_195 : vector<16xf32> to vector<16xf32>
    %add3A_197 = arith.addf %get3A_196, %get3A_50 : vector<16xf32>
    %swap3A_198 = arith.constant 288 : index
    %swap3A_199 = tpu.vector_load %arg7[%swap3A_198] {strides = array<i32>} : memref<512xf32, #tpu.memory_space<vmem>>, vector<16xf32>,
    %swap3A_200 = vector.shape_cast %swap3A_199 : vector<16xf32> to vector<16xf32>
    %swap3A_201 = vector.shape_cast %add3A_197 : vector<16xf32> to vector<16xf32>
    tpu.vector_store %arg7[%swap3A_198], %swap3A_201 {strides = array<i32>} : memref<512xf32, #tpu.memory_space<vmem>>, vector<16xf32>,
    %get3A_202 = arith.constant 304 : index
    %get3A_203 = tpu.vector_load %arg7[%get3A_202] {strides = array<i32>} : memref<512xf32, #tpu.memory_space<vmem>>, vector<16xf32>,
    %get3A_204 = vector.shape_cast %get3A_203 : vector<16xf32> to vector<16xf32>
    %add3A_205 = arith.addf %get3A_204, %get3A_50 : vector<16xf32>
    %swap3A_206 = arith.constant 304 : index
    %swap3A_207 = tpu.vector_load %arg7[%swap3A_206] {strides = array<i32>} : memref<512xf32, #tpu.memory_space<vmem>>, vector<16xf32>,
    %swap3A_208 = vector.shape_cast %swap3A_207 : vector<16xf32> to vector<16xf32>
    %swap3A_209 = vector.shape_cast %add3A_205 : vector<16xf32> to vector<16xf32>
    tpu.vector_store %arg7[%swap3A_206], %swap3A_209 {strides = array<i32>} : memref<512xf32, #tpu.memory_space<vmem>>, vector<16xf32>,
    %get3A_210 = arith.constant 320 : index
    %get3A_211 = tpu.vector_load %arg7[%get3A_210] {strides = array<i32>} : memref<512xf32, #tpu.memory_space<vmem>>, vector<16xf32>,
    %get3A_212 = vector.shape_cast %get3A_211 : vector<16xf32> to vector<16xf32>
    %add3A_213 = arith.addf %get3A_212, %get3A_50 : vector<16xf32>
    %swap3A_214 = arith.constant 320 : index
    %swap3A_215 = tpu.vector_load %arg7[%swap3A_214] {strides = array<i32>} : memref<512xf32, #tpu.memory_space<vmem>>, vector<16xf32>,
    %swap3A_216 = vector.shape_cast %swap3A_215 : vector<16xf32> to vector<16xf32>
    %swap3A_217 = vector.shape_cast %add3A_213 : vector<16xf32> to vector<16xf32>
    tpu.vector_store %arg7[%swap3A_214], %swap3A_217 {strides = array<i32>} : memref<512xf32, #tpu.memory_space<vmem>>, vector<16xf32>,
    %get3A_218 = arith.constant 336 : index
    %get3A_219 = tpu.vector_load %arg7[%get3A_218] {strides = array<i32>} : memref<512xf32, #tpu.memory_space<vmem>>, vector<16xf32>,
    %get3A_220 = vector.shape_cast %get3A_219 : vector<16xf32> to vector<16xf32>
    %add3A_221 = arith.addf %get3A_220, %get3A_50 : vector<16xf32>
    %swap3A_222 = arith.constant 336 : index
    %swap3A_223 = tpu.vector_load %arg7[%swap3A_222] {strides = array<i32>} : memref<512xf32, #tpu.memory_space<vmem>>, vector<16xf32>,
    %swap3A_224 = vector.shape_cast %swap3A_223 : vector<16xf32> to vector<16xf32>
    %swap3A_225 = vector.shape_cast %add3A_221 : vector<16xf32> to vector<16xf32>
    tpu.vector_store %arg7[%swap3A_222], %swap3A_225 {strides = array<i32>} : memref<512xf32, #tpu.memory_space<vmem>>, vector<16xf32>,
    %get3A_226 = arith.constant 352 : index
    %get3A_227 = tpu.vector_load %arg7[%get3A_226] {strides = array<i32>} : memref<512xf32, #tpu.memory_space<vmem>>, vector<16xf32>,
    %get3A_228 = vector.shape_cast %get3A_227 : vector<16xf32> to vector<16xf32>
    %add3A_229 = arith.addf %get3A_228, %get3A_50 : vector<16xf32>
    %swap3A_230 = arith.constant 352 : index
    %swap3A_231 = tpu.vector_load %arg7[%swap3A_230] {strides = array<i32>} : memref<512xf32, #tpu.memory_space<vmem>>, vector<16xf32>,
    %swap3A_232 = vector.shape_cast %swap3A_231 : vector<16xf32> to vector<16xf32>
    %swap3A_233 = vector.shape_cast %add3A_229 : vector<16xf32> to vector<16xf32>
    tpu.vector_store %arg7[%swap3A_230], %swap3A_233 {strides = array<i32>} : memref<512xf32, #tpu.memory_space<vmem>>, vector<16xf32>,
    %get3A_234 = arith.constant 368 : index
    %get3A_235 = tpu.vector_load %arg7[%get3A_234] {strides = array<i32>} : memref<512xf32, #tpu.memory_space<vmem>>, vector<16xf32>,
    %get3A_236 = vector.shape_cast %get3A_235 : vector<16xf32> to vector<16xf32>
    %add3A_237 = arith.addf %get3A_236, %get3A_50 : vector<16xf32>
    %swap3A_238 = arith.constant 368 : index
    %swap3A_239 = tpu.vector_load %arg7[%swap3A_238] {strides = array<i32>} : memref<512xf32, #tpu.memory_space<vmem>>, vector<16xf32>,
    %swap3A_240 = vector.shape_cast %swap3A_239 : vector<16xf32> to vector<16xf32>
    %swap3A_241 = vector.shape_cast %add3A_237 : vector<16xf32> to vector<16xf32>
    tpu.vector_store %arg7[%swap3A_238], %swap3A_241 {strides = array<i32>} : memref<512xf32, #tpu.memory_space<vmem>>, vector<16xf32>,
    %get3A_242 = arith.constant 384 : index
    %get3A_243 = tpu.vector_load %arg7[%get3A_242] {strides = array<i32>} : memref<512xf32, #tpu.memory_space<vmem>>, vector<16xf32>,
    %get3A_244 = vector.shape_cast %get3A_243 : vector<16xf32> to vector<16xf32>
    %add3A_245 = arith.addf %get3A_244, %get3A_50 : vector<16xf32>
    %swap3A_246 = arith.constant 384 : index
    %swap3A_247 = tpu.vector_load %arg7[%swap3A_246] {strides = array<i32>} : memref<512xf32, #tpu.memory_space<vmem>>, vector<16xf32>,
    %swap3A_248 = vector.shape_cast %swap3A_247 : vector<16xf32> to vector<16xf32>
    %swap3A_249 = vector.shape_cast %add3A_245 : vector<16xf32> to vector<16xf32>
    tpu.vector_store %arg7[%swap3A_246], %swap3A_249 {strides = array<i32>} : memref<512xf32, #tpu.memory_space<vmem>>, vector<16xf32>,
    %get3A_250 = arith.constant 400 : index
    %get3A_251 = tpu.vector_load %arg7[%get3A_250] {strides = array<i32>} : memref<512xf32, #tpu.memory_space<vmem>>, vector<16xf32>,
    %get3A_252 = vector.shape_cast %get3A_251 : vector<16xf32> to vector<16xf32>
    %add3A_253 = arith.addf %get3A_252, %get3A_50 : vector<16xf32>
    %swap3A_254 = arith.constant 400 : index
    %swap3A_255 = tpu.vector_load %arg7[%swap3A_254] {strides = array<i32>} : memref<512xf32, #tpu.memory_space<vmem>>, vector<16xf32>,
    %swap3A_256 = vector.shape_cast %swap3A_255 : vector<16xf32> to vector<16xf32>
    %swap3A_257 = vector.shape_cast %add3A_253 : vector<16xf32> to vector<16xf32>
    tpu.vector_store %arg7[%swap3A_254], %swap3A_257 {strides = array<i32>} : memref<512xf32, #tpu.memory_space<vmem>>, vector<16xf32>,
    %get3A_258 = arith.constant 416 : index
    %get3A_259 = tpu.vector_load %arg7[%get3A_258] {strides = array<i32>} : memref<512xf32, #tpu.memory_space<vmem>>, vector<16xf32>,
    %get3A_260 = vector.shape_cast %get3A_259 : vector<16xf32> to vector<16xf32>
    %add3A_261 = arith.addf %get3A_260, %get3A_50 : vector<16xf32>
    %swap3A_262 = arith.constant 416 : index
    %swap3A_263 = tpu.vector_load %arg7[%swap3A_262] {strides = array<i32>} : memref<512xf32, #tpu.memory_space<vmem>>, vector<16xf32>,
    %swap3A_264 = vector.shape_cast %swap3A_263 : vector<16xf32> to vector<16xf32>
    %swap3A_265 = vector.shape_cast %add3A_261 : vector<16xf32> to vector<16xf32>
    tpu.vector_store %arg7[%swap3A_262], %swap3A_265 {strides = array<i32>} : memref<512xf32, #tpu.memory_space<vmem>>, vector<16xf32>,
    %get3A_266 = arith.constant 432 : index
    %get3A_267 = tpu.vector_load %arg7[%get3A_266] {strides = array<i32>} : memref<512xf32, #tpu.memory_space<vmem>>, vector<16xf32>,
    %get3A_268 = vector.shape_cast %get3A_267 : vector<16xf32> to vector<16xf32>
    %add3A_269 = arith.addf %get3A_268, %get3A_50 : vector<16xf32>
    %swap3A_270 = arith.constant 432 : index
    %swap3A_271 = tpu.vector_load %arg7[%swap3A_270] {strides = array<i32>} : memref<512xf32, #tpu.memory_space<vmem>>, vector<16xf32>,
    %swap3A_272 = vector.shape_cast %swap3A_271 : vector<16xf32> to vector<16xf32>
    %swap3A_273 = vector.shape_cast %add3A_269 : vector<16xf32> to vector<16xf32>
    tpu.vector_store %arg7[%swap3A_270], %swap3A_273 {strides = array<i32>} : memref<512xf32, #tpu.memory_space<vmem>>, vector<16xf32>,
    %get3A_274 = arith.constant 448 : index
    %get3A_275 = tpu.vector_load %arg7[%get3A_274] {strides = array<i32>} : memref<512xf32, #tpu.memory_space<vmem>>, vector<16xf32>,
    %get3A_276 = vector.shape_cast %get3A_275 : vector<16xf32> to vector<16xf32>
    %add3A_277 = arith.addf %get3A_276, %get3A_50 : vector<16xf32>
    %swap3A_278 = arith.constant 448 : index
    %swap3A_279 = tpu.vector_load %arg7[%swap3A_278] {strides = array<i32>} : memref<512xf32, #tpu.memory_space<vmem>>, vector<16xf32>,
    %swap3A_280 = vector.shape_cast %swap3A_279 : vector<16xf32> to vector<16xf32>
    %swap3A_281 = vector.shape_cast %add3A_277 : vector<16xf32> to vector<16xf32>
    tpu.vector_store %arg7[%swap3A_278], %swap3A_281 {strides = array<i32>} : memref<512xf32, #tpu.memory_space<vmem>>, vector<16xf32>,
    %get3A_282 = arith.constant 464 : index
    %get3A_283 = tpu.vector_load %arg7[%get3A_282] {strides = array<i32>} : memref<512xf32, #tpu.memory_space<vmem>>, vector<16xf32>,
    %get3A_284 = vector.shape_cast %get3A_283 : vector<16xf32> to vector<16xf32>
    %add3A_285 = arith.addf %get3A_284, %get3A_50 : vector<16xf32>
    %swap3A_286 = arith.constant 464 : index
    %swap3A_287 = tpu.vector_load %arg7[%swap3A_286] {strides = array<i32>} : memref<512xf32, #tpu.memory_space<vmem>>, vector<16xf32>,
    %swap3A_288 = vector.shape_cast %swap3A_287 : vector<16xf32> to vector<16xf32>
    %swap3A_289 = vector.shape_cast %add3A_285 : vector<16xf32> to vector<16xf32>
    tpu.vector_store %arg7[%swap3A_286], %swap3A_289 {strides = array<i32>} : memref<512xf32, #tpu.memory_space<vmem>>, vector<16xf32>,
    %get3A_290 = arith.constant 480 : index
    %get3A_291 = tpu.vector_load %arg7[%get3A_290] {strides = array<i32>} : memref<512xf32, #tpu.memory_space<vmem>>, vector<16xf32>,
    %get3A_292 = vector.shape_cast %get3A_291 : vector<16xf32> to vector<16xf32>
    %add3A_293 = arith.addf %get3A_292, %get3A_50 : vector<16xf32>
    %swap3A_294 = arith.constant 480 : index
    %swap3A_295 = tpu.vector_load %arg7[%swap3A_294] {strides = array<i32>} : memref<512xf32, #tpu.memory_space<vmem>>, vector<16xf32>,
    %swap3A_296 = vector.shape_cast %swap3A_295 : vector<16xf32> to vector<16xf32>
    %swap3A_297 = vector.shape_cast %add3A_293 : vector<16xf32> to vector<16xf32>
    tpu.vector_store %arg7[%swap3A_294], %swap3A_297 {strides = array<i32>} : memref<512xf32, #tpu.memory_space<vmem>>, vector<16xf32>,
    %get3A_298 = arith.constant 496 : index
    %get3A_299 = tpu.vector_load %arg7[%get3A_298] {strides = array<i32>} : memref<512xf32, #tpu.memory_space<vmem>>, vector<16xf32>,
    %get3A_300 = vector.shape_cast %get3A_299 : vector<16xf32> to vector<16xf32>
    %add3A_301 = arith.addf %get3A_300, %get3A_50 : vector<16xf32>
    %swap3A_302 = arith.constant 496 : index
    %swap3A_303 = tpu.vector_load %arg7[%swap3A_302] {strides = array<i32>} : memref<512xf32, #tpu.memory_space<vmem>>, vector<16xf32>,
    %swap3A_304 = vector.shape_cast %swap3A_303 : vector<16xf32> to vector<16xf32>
    %swap3A_305 = vector.shape_cast %add3A_301 : vector<16xf32> to vector<16xf32>
    tpu.vector_store %arg7[%swap3A_302], %swap3A_305 {strides = array<i32>} : memref<512xf32, #tpu.memory_space<vmem>>, vector<16xf32>,
    "tpu.region"() ({
      %run_scoped3A = tpu.sem_alloc : memref<!tpu.dma_semaphore, #tpu.memory_space<semaphore_mem>>
      %dma_start3A_306 = tpu.memref_slice %arg5[%mul3A_2] : memref<16384xf32, #tpu.memory_space<hbm>> -> memref<512xf32, #tpu.memory_space<hbm>>
      %dma_start3A_307 = tpu.memref_slice %arg5[%mul3A_2] : memref<16384xf32, #tpu.memory_space<hbm>> -> memref<512xf32, #tpu.memory_space<hbm>>
      tpu.enqueue_dma source(%arg7 : memref<512xf32, #tpu.memory_space<vmem>>) target(%dma_start3A_307 : memref<512xf32, #tpu.memory_space<hbm>>) target_semaphore(%run_scoped3A : memref<!tpu.dma_semaphore, #tpu.memory_space<semaphore_mem>>)
      %dma_wait3A_308 = tpu.memref_slice %arg5[%mul3A_2] : memref<16384xf32, #tpu.memory_space<hbm>> -> memref<512xf32, #tpu.memory_space<hbm>>
      %dma_wait3A_309 = tpu.memref_slice %arg5[%mul3A_2] : memref<16384xf32, #tpu.memory_space<hbm>> -> memref<512xf32, #tpu.memory_space<hbm>>
      tpu.wait_dma2 semaphore(%run_scoped3A : memref<!tpu.dma_semaphore, #tpu.memory_space<semaphore_mem>>) src(%arg7 : memref<512xf32, #tpu.memory_space<vmem>>) dst(%dma_wait3A_309 : memref<512xf32, #tpu.memory_space<hbm>>)
      tpu.yield
    }) : () -> ()
    return
  }
}

#map = affine_map<(d0, d1) -> (0)>
module attributes {stable_mosaic.version = 14 : i64} {
  func.func @_gather_body(%arg0: i32, %arg1: i32, %arg2: memref<16384xi32, #tpu.memory_space<hbm>>, %arg3: memref<1000000xf32, #tpu.memory_space<hbm>>, %arg4: memref<16384xf32, #tpu.memory_space<hbm>>, %arg5: memref<16384xf32, #tpu.memory_space<hbm>>, %arg6: memref<512xi32, #tpu.memory_space<vmem>>, %arg7: memref<512xf32, #tpu.memory_space<vmem>>, %arg8: memref<512xf32, #tpu.memory_space<vmem>>, %arg9: memref<!tpu.dma_semaphore, #tpu.memory_space<semaphore_mem>>, %arg10: memref<!tpu.dma_semaphore, #tpu.memory_space<semaphore_mem>>) attributes {dimension_semantics = [#tpu.dimension_semantics<core_parallel>, #tpu.dimension_semantics<subcore_parallel>], iteration_bounds = array<i64: 2, 16>, scalar_prefetch = 0 : i64, scratch_operands = 5 : i64, tpu.core_type = #tpu.core_type<sc_vector_subcore>, window_params = [{transform_indices = #map}, {transform_indices = #map}, {transform_indices = #map}, {transform_indices = #map}]} {
    %mul3A = arith.constant 2 : i32
    %mul3A_0 = arith.muli %arg1, %mul3A : i32
    %add3A = arith.addi %mul3A_0, %arg0 : i32
    %mul3A_1 = arith.constant 512 : i32
    %mul3A_2 = arith.muli %add3A, %mul3A_1 : i32
    %dma_start3A = tpu.memref_slice %arg4[%mul3A_2] : memref<16384xf32, #tpu.memory_space<hbm>> -> memref<512xf32, #tpu.memory_space<hbm>>
    %dma_start3A_3 = tpu.memref_slice %arg4[%mul3A_2] : memref<16384xf32, #tpu.memory_space<hbm>> -> memref<512xf32, #tpu.memory_space<hbm>>
    tpu.enqueue_dma source(%dma_start3A_3 : memref<512xf32, #tpu.memory_space<hbm>>) target(%arg8 : memref<512xf32, #tpu.memory_space<vmem>>) target_semaphore(%arg10 : memref<!tpu.dma_semaphore, #tpu.memory_space<semaphore_mem>>)
    "tpu.region"() ({
      %run_scoped3A = tpu.sem_alloc : memref<!tpu.dma_semaphore, #tpu.memory_space<semaphore_mem>>
      %dma_start3A_403 = tpu.memref_slice %arg2[%mul3A_2] : memref<16384xi32, #tpu.memory_space<hbm>> -> memref<512xi32, #tpu.memory_space<hbm>>
      %dma_start3A_404 = tpu.memref_slice %arg2[%mul3A_2] : memref<16384xi32, #tpu.memory_space<hbm>> -> memref<512xi32, #tpu.memory_space<hbm>>
      tpu.enqueue_dma source(%dma_start3A_404 : memref<512xi32, #tpu.memory_space<hbm>>) target(%arg6 : memref<512xi32, #tpu.memory_space<vmem>>) target_semaphore(%run_scoped3A : memref<!tpu.dma_semaphore, #tpu.memory_space<semaphore_mem>>)
      %dma_wait3A_405 = tpu.memref_slice %arg2[%mul3A_2] : memref<16384xi32, #tpu.memory_space<hbm>> -> memref<512xi32, #tpu.memory_space<hbm>>
      %dma_wait3A_406 = tpu.memref_slice %arg2[%mul3A_2] : memref<16384xi32, #tpu.memory_space<hbm>> -> memref<512xi32, #tpu.memory_space<hbm>>
      tpu.wait_dma2 semaphore(%run_scoped3A : memref<!tpu.dma_semaphore, #tpu.memory_space<semaphore_mem>>) src(%dma_wait3A_406 : memref<512xi32, #tpu.memory_space<hbm>>) dst(%arg6 : memref<512xi32, #tpu.memory_space<vmem>>)
      tpu.yield
    }) : () -> ()
    %dma_start3A_4 = arith.constant 0 : i32
    %dma_start3A_5 = tpu.memref_slice %arg7[%dma_start3A_4] : memref<512xf32, #tpu.memory_space<vmem>> -> memref<128xf32, #tpu.memory_space<vmem>>
    %dma_start3A_6 = arith.constant 0 : i32
    %dma_start3A_7 = tpu.memref_slice %arg6[%dma_start3A_6] : memref<512xi32, #tpu.memory_space<vmem>> -> memref<128xi32, #tpu.memory_space<vmem>>
    %dma_start3A_8 = arith.constant 0 : i32
    %dma_start3A_9 = tpu.memref_slice %arg3[%dma_start3A_8] : memref<1000000xf32, #tpu.memory_space<hbm>> -> memref<1000000xf32, #tpu.memory_space<hbm>>
    tpu.enqueue_indirect_dma source(%dma_start3A_9 : memref<1000000xf32, #tpu.memory_space<hbm>>) target(%dma_start3A_5 : memref<128xf32, #tpu.memory_space<vmem>>) offsets(%dma_start3A_7 : memref<128xi32, #tpu.memory_space<vmem>>) semaphore(%arg9 : memref<!tpu.dma_semaphore, #tpu.memory_space<semaphore_mem>>)
    %dma_start3A_10 = arith.constant 128 : i32
    %dma_start3A_11 = tpu.memref_slice %arg7[%dma_start3A_10] : memref<512xf32, #tpu.memory_space<vmem>> -> memref<128xf32, #tpu.memory_space<vmem>>
    %dma_start3A_12 = arith.constant 128 : i32
    %dma_start3A_13 = tpu.memref_slice %arg6[%dma_start3A_12] : memref<512xi32, #tpu.memory_space<vmem>> -> memref<128xi32, #tpu.memory_space<vmem>>
    %dma_start3A_14 = arith.constant 0 : i32
    %dma_start3A_15 = tpu.memref_slice %arg3[%dma_start3A_14] : memref<1000000xf32, #tpu.memory_space<hbm>> -> memref<1000000xf32, #tpu.memory_space<hbm>>
    tpu.enqueue_indirect_dma source(%dma_start3A_15 : memref<1000000xf32, #tpu.memory_space<hbm>>) target(%dma_start3A_11 : memref<128xf32, #tpu.memory_space<vmem>>) offsets(%dma_start3A_13 : memref<128xi32, #tpu.memory_space<vmem>>) semaphore(%arg9 : memref<!tpu.dma_semaphore, #tpu.memory_space<semaphore_mem>>)
    %dma_start3A_16 = arith.constant 256 : i32
    %dma_start3A_17 = tpu.memref_slice %arg7[%dma_start3A_16] : memref<512xf32, #tpu.memory_space<vmem>> -> memref<128xf32, #tpu.memory_space<vmem>>
    %dma_start3A_18 = arith.constant 256 : i32
    %dma_start3A_19 = tpu.memref_slice %arg6[%dma_start3A_18] : memref<512xi32, #tpu.memory_space<vmem>> -> memref<128xi32, #tpu.memory_space<vmem>>
    %dma_start3A_20 = arith.constant 0 : i32
    %dma_start3A_21 = tpu.memref_slice %arg3[%dma_start3A_20] : memref<1000000xf32, #tpu.memory_space<hbm>> -> memref<1000000xf32, #tpu.memory_space<hbm>>
    tpu.enqueue_indirect_dma source(%dma_start3A_21 : memref<1000000xf32, #tpu.memory_space<hbm>>) target(%dma_start3A_17 : memref<128xf32, #tpu.memory_space<vmem>>) offsets(%dma_start3A_19 : memref<128xi32, #tpu.memory_space<vmem>>) semaphore(%arg9 : memref<!tpu.dma_semaphore, #tpu.memory_space<semaphore_mem>>)
    %dma_start3A_22 = arith.constant 384 : i32
    %dma_start3A_23 = tpu.memref_slice %arg7[%dma_start3A_22] : memref<512xf32, #tpu.memory_space<vmem>> -> memref<128xf32, #tpu.memory_space<vmem>>
    %dma_start3A_24 = arith.constant 384 : i32
    %dma_start3A_25 = tpu.memref_slice %arg6[%dma_start3A_24] : memref<512xi32, #tpu.memory_space<vmem>> -> memref<128xi32, #tpu.memory_space<vmem>>
    %dma_start3A_26 = arith.constant 0 : i32
    %dma_start3A_27 = tpu.memref_slice %arg3[%dma_start3A_26] : memref<1000000xf32, #tpu.memory_space<hbm>> -> memref<1000000xf32, #tpu.memory_space<hbm>>
    tpu.enqueue_indirect_dma source(%dma_start3A_27 : memref<1000000xf32, #tpu.memory_space<hbm>>) target(%dma_start3A_23 : memref<128xf32, #tpu.memory_space<vmem>>) offsets(%dma_start3A_25 : memref<128xi32, #tpu.memory_space<vmem>>) semaphore(%arg9 : memref<!tpu.dma_semaphore, #tpu.memory_space<semaphore_mem>>)
    %dma_wait3A = arith.constant 0 : i32
    %dma_wait3A_28 = tpu.memref_slice %arg7[%dma_wait3A] : memref<512xf32, #tpu.memory_space<vmem>> -> memref<128xf32, #tpu.memory_space<vmem>>
    %dma_wait3A_29 = arith.constant 0 : i32
    %dma_wait3A_30 = tpu.memref_slice %arg6[%dma_wait3A_29] : memref<512xi32, #tpu.memory_space<vmem>> -> memref<128xi32, #tpu.memory_space<vmem>>
    %dma_wait3A_31 = arith.constant 0 : i32
    %dma_wait3A_32 = tpu.memref_slice %arg3[%dma_wait3A_31] : memref<1000000xf32, #tpu.memory_space<hbm>> -> memref<1000000xf32, #tpu.memory_space<hbm>>
    tpu.wait_indirect_dma semaphore(%arg9 : memref<!tpu.dma_semaphore, #tpu.memory_space<semaphore_mem>>) src(%dma_wait3A_32 : memref<1000000xf32, #tpu.memory_space<hbm>>) dst(%dma_wait3A_28 : memref<128xf32, #tpu.memory_space<vmem>>)
    %dma_wait3A_33 = arith.constant 128 : i32
    %dma_wait3A_34 = tpu.memref_slice %arg7[%dma_wait3A_33] : memref<512xf32, #tpu.memory_space<vmem>> -> memref<128xf32, #tpu.memory_space<vmem>>
    %dma_wait3A_35 = arith.constant 128 : i32
    %dma_wait3A_36 = tpu.memref_slice %arg6[%dma_wait3A_35] : memref<512xi32, #tpu.memory_space<vmem>> -> memref<128xi32, #tpu.memory_space<vmem>>
    %dma_wait3A_37 = arith.constant 0 : i32
    %dma_wait3A_38 = tpu.memref_slice %arg3[%dma_wait3A_37] : memref<1000000xf32, #tpu.memory_space<hbm>> -> memref<1000000xf32, #tpu.memory_space<hbm>>
    tpu.wait_indirect_dma semaphore(%arg9 : memref<!tpu.dma_semaphore, #tpu.memory_space<semaphore_mem>>) src(%dma_wait3A_38 : memref<1000000xf32, #tpu.memory_space<hbm>>) dst(%dma_wait3A_34 : memref<128xf32, #tpu.memory_space<vmem>>)
    %dma_wait3A_39 = arith.constant 256 : i32
    %dma_wait3A_40 = tpu.memref_slice %arg7[%dma_wait3A_39] : memref<512xf32, #tpu.memory_space<vmem>> -> memref<128xf32, #tpu.memory_space<vmem>>
    %dma_wait3A_41 = arith.constant 256 : i32
    %dma_wait3A_42 = tpu.memref_slice %arg6[%dma_wait3A_41] : memref<512xi32, #tpu.memory_space<vmem>> -> memref<128xi32, #tpu.memory_space<vmem>>
    %dma_wait3A_43 = arith.constant 0 : i32
    %dma_wait3A_44 = tpu.memref_slice %arg3[%dma_wait3A_43] : memref<1000000xf32, #tpu.memory_space<hbm>> -> memref<1000000xf32, #tpu.memory_space<hbm>>
    tpu.wait_indirect_dma semaphore(%arg9 : memref<!tpu.dma_semaphore, #tpu.memory_space<semaphore_mem>>) src(%dma_wait3A_44 : memref<1000000xf32, #tpu.memory_space<hbm>>) dst(%dma_wait3A_40 : memref<128xf32, #tpu.memory_space<vmem>>)
    %dma_wait3A_45 = arith.constant 384 : i32
    %dma_wait3A_46 = tpu.memref_slice %arg7[%dma_wait3A_45] : memref<512xf32, #tpu.memory_space<vmem>> -> memref<128xf32, #tpu.memory_space<vmem>>
    %dma_wait3A_47 = arith.constant 384 : i32
    %dma_wait3A_48 = tpu.memref_slice %arg6[%dma_wait3A_47] : memref<512xi32, #tpu.memory_space<vmem>> -> memref<128xi32, #tpu.memory_space<vmem>>
    %dma_wait3A_49 = arith.constant 0 : i32
    %dma_wait3A_50 = tpu.memref_slice %arg3[%dma_wait3A_49] : memref<1000000xf32, #tpu.memory_space<hbm>> -> memref<1000000xf32, #tpu.memory_space<hbm>>
    tpu.wait_indirect_dma semaphore(%arg9 : memref<!tpu.dma_semaphore, #tpu.memory_space<semaphore_mem>>) src(%dma_wait3A_50 : memref<1000000xf32, #tpu.memory_space<hbm>>) dst(%dma_wait3A_46 : memref<128xf32, #tpu.memory_space<vmem>>)
    %dma_wait3A_51 = tpu.memref_slice %arg4[%mul3A_2] : memref<16384xf32, #tpu.memory_space<hbm>> -> memref<512xf32, #tpu.memory_space<hbm>>
    %dma_wait3A_52 = tpu.memref_slice %arg4[%mul3A_2] : memref<16384xf32, #tpu.memory_space<hbm>> -> memref<512xf32, #tpu.memory_space<hbm>>
    tpu.wait_dma2 semaphore(%arg10 : memref<!tpu.dma_semaphore, #tpu.memory_space<semaphore_mem>>) src(%dma_wait3A_52 : memref<512xf32, #tpu.memory_space<hbm>>) dst(%arg8 : memref<512xf32, #tpu.memory_space<vmem>>)
    %get3A = arith.constant 0 : index
    %get3A_53 = tpu.vector_load %arg7[%get3A] {strides = array<i32>} : memref<512xf32, #tpu.memory_space<vmem>>, vector<16xf32>,
    %get3A_54 = vector.shape_cast %get3A_53 : vector<16xf32> to vector<16xf32>
    %get3A_55 = arith.constant 0 : index
    %get3A_56 = tpu.vector_load %arg8[%get3A_55] {strides = array<i32>} : memref<512xf32, #tpu.memory_space<vmem>>, vector<16xf32>,
    %get3A_57 = vector.shape_cast %get3A_56 : vector<16xf32> to vector<16xf32>
    %add3A_58 = arith.addf %get3A_54, %get3A_57 : vector<16xf32>
    %swap3A = arith.constant 0 : index
    %swap3A_59 = tpu.vector_load %arg7[%swap3A] {strides = array<i32>} : memref<512xf32, #tpu.memory_space<vmem>>, vector<16xf32>,
    %swap3A_60 = vector.shape_cast %swap3A_59 : vector<16xf32> to vector<16xf32>
    %swap3A_61 = vector.shape_cast %add3A_58 : vector<16xf32> to vector<16xf32>
    tpu.vector_store %arg7[%swap3A], %swap3A_61 {strides = array<i32>} : memref<512xf32, #tpu.memory_space<vmem>>, vector<16xf32>,
    %get3A_62 = arith.constant 16 : index
    %get3A_63 = tpu.vector_load %arg7[%get3A_62] {strides = array<i32>} : memref<512xf32, #tpu.memory_space<vmem>>, vector<16xf32>,
    %get3A_64 = vector.shape_cast %get3A_63 : vector<16xf32> to vector<16xf32>
    %get3A_65 = arith.constant 16 : index
    %get3A_66 = tpu.vector_load %arg8[%get3A_65] {strides = array<i32>} : memref<512xf32, #tpu.memory_space<vmem>>, vector<16xf32>,
    %get3A_67 = vector.shape_cast %get3A_66 : vector<16xf32> to vector<16xf32>
    %add3A_68 = arith.addf %get3A_64, %get3A_67 : vector<16xf32>
    %swap3A_69 = arith.constant 16 : index
    %swap3A_70 = tpu.vector_load %arg7[%swap3A_69] {strides = array<i32>} : memref<512xf32, #tpu.memory_space<vmem>>, vector<16xf32>,
    %swap3A_71 = vector.shape_cast %swap3A_70 : vector<16xf32> to vector<16xf32>
    %swap3A_72 = vector.shape_cast %add3A_68 : vector<16xf32> to vector<16xf32>
    tpu.vector_store %arg7[%swap3A_69], %swap3A_72 {strides = array<i32>} : memref<512xf32, #tpu.memory_space<vmem>>, vector<16xf32>,
    %get3A_73 = arith.constant 32 : index
    %get3A_74 = tpu.vector_load %arg7[%get3A_73] {strides = array<i32>} : memref<512xf32, #tpu.memory_space<vmem>>, vector<16xf32>,
    %get3A_75 = vector.shape_cast %get3A_74 : vector<16xf32> to vector<16xf32>
    %get3A_76 = arith.constant 32 : index
    %get3A_77 = tpu.vector_load %arg8[%get3A_76] {strides = array<i32>} : memref<512xf32, #tpu.memory_space<vmem>>, vector<16xf32>,
    %get3A_78 = vector.shape_cast %get3A_77 : vector<16xf32> to vector<16xf32>
    %add3A_79 = arith.addf %get3A_75, %get3A_78 : vector<16xf32>
    %swap3A_80 = arith.constant 32 : index
    %swap3A_81 = tpu.vector_load %arg7[%swap3A_80] {strides = array<i32>} : memref<512xf32, #tpu.memory_space<vmem>>, vector<16xf32>,
    %swap3A_82 = vector.shape_cast %swap3A_81 : vector<16xf32> to vector<16xf32>
    %swap3A_83 = vector.shape_cast %add3A_79 : vector<16xf32> to vector<16xf32>
    tpu.vector_store %arg7[%swap3A_80], %swap3A_83 {strides = array<i32>} : memref<512xf32, #tpu.memory_space<vmem>>, vector<16xf32>,
    %get3A_84 = arith.constant 48 : index
    %get3A_85 = tpu.vector_load %arg7[%get3A_84] {strides = array<i32>} : memref<512xf32, #tpu.memory_space<vmem>>, vector<16xf32>,
    %get3A_86 = vector.shape_cast %get3A_85 : vector<16xf32> to vector<16xf32>
    %get3A_87 = arith.constant 48 : index
    %get3A_88 = tpu.vector_load %arg8[%get3A_87] {strides = array<i32>} : memref<512xf32, #tpu.memory_space<vmem>>, vector<16xf32>,
    %get3A_89 = vector.shape_cast %get3A_88 : vector<16xf32> to vector<16xf32>
    %add3A_90 = arith.addf %get3A_86, %get3A_89 : vector<16xf32>
    %swap3A_91 = arith.constant 48 : index
    %swap3A_92 = tpu.vector_load %arg7[%swap3A_91] {strides = array<i32>} : memref<512xf32, #tpu.memory_space<vmem>>, vector<16xf32>,
    %swap3A_93 = vector.shape_cast %swap3A_92 : vector<16xf32> to vector<16xf32>
    %swap3A_94 = vector.shape_cast %add3A_90 : vector<16xf32> to vector<16xf32>
    tpu.vector_store %arg7[%swap3A_91], %swap3A_94 {strides = array<i32>} : memref<512xf32, #tpu.memory_space<vmem>>, vector<16xf32>,
    %get3A_95 = arith.constant 64 : index
    %get3A_96 = tpu.vector_load %arg7[%get3A_95] {strides = array<i32>} : memref<512xf32, #tpu.memory_space<vmem>>, vector<16xf32>,
    %get3A_97 = vector.shape_cast %get3A_96 : vector<16xf32> to vector<16xf32>
    %get3A_98 = arith.constant 64 : index
    %get3A_99 = tpu.vector_load %arg8[%get3A_98] {strides = array<i32>} : memref<512xf32, #tpu.memory_space<vmem>>, vector<16xf32>,
    %get3A_100 = vector.shape_cast %get3A_99 : vector<16xf32> to vector<16xf32>
    %add3A_101 = arith.addf %get3A_97, %get3A_100 : vector<16xf32>
    %swap3A_102 = arith.constant 64 : index
    %swap3A_103 = tpu.vector_load %arg7[%swap3A_102] {strides = array<i32>} : memref<512xf32, #tpu.memory_space<vmem>>, vector<16xf32>,
    %swap3A_104 = vector.shape_cast %swap3A_103 : vector<16xf32> to vector<16xf32>
    %swap3A_105 = vector.shape_cast %add3A_101 : vector<16xf32> to vector<16xf32>
    tpu.vector_store %arg7[%swap3A_102], %swap3A_105 {strides = array<i32>} : memref<512xf32, #tpu.memory_space<vmem>>, vector<16xf32>,
    %get3A_106 = arith.constant 80 : index
    %get3A_107 = tpu.vector_load %arg7[%get3A_106] {strides = array<i32>} : memref<512xf32, #tpu.memory_space<vmem>>, vector<16xf32>,
    %get3A_108 = vector.shape_cast %get3A_107 : vector<16xf32> to vector<16xf32>
    %get3A_109 = arith.constant 80 : index
    %get3A_110 = tpu.vector_load %arg8[%get3A_109] {strides = array<i32>} : memref<512xf32, #tpu.memory_space<vmem>>, vector<16xf32>,
    %get3A_111 = vector.shape_cast %get3A_110 : vector<16xf32> to vector<16xf32>
    %add3A_112 = arith.addf %get3A_108, %get3A_111 : vector<16xf32>
    %swap3A_113 = arith.constant 80 : index
    %swap3A_114 = tpu.vector_load %arg7[%swap3A_113] {strides = array<i32>} : memref<512xf32, #tpu.memory_space<vmem>>, vector<16xf32>,
    %swap3A_115 = vector.shape_cast %swap3A_114 : vector<16xf32> to vector<16xf32>
    %swap3A_116 = vector.shape_cast %add3A_112 : vector<16xf32> to vector<16xf32>
    tpu.vector_store %arg7[%swap3A_113], %swap3A_116 {strides = array<i32>} : memref<512xf32, #tpu.memory_space<vmem>>, vector<16xf32>,
    %get3A_117 = arith.constant 96 : index
    %get3A_118 = tpu.vector_load %arg7[%get3A_117] {strides = array<i32>} : memref<512xf32, #tpu.memory_space<vmem>>, vector<16xf32>,
    %get3A_119 = vector.shape_cast %get3A_118 : vector<16xf32> to vector<16xf32>
    %get3A_120 = arith.constant 96 : index
    %get3A_121 = tpu.vector_load %arg8[%get3A_120] {strides = array<i32>} : memref<512xf32, #tpu.memory_space<vmem>>, vector<16xf32>,
    %get3A_122 = vector.shape_cast %get3A_121 : vector<16xf32> to vector<16xf32>
    %add3A_123 = arith.addf %get3A_119, %get3A_122 : vector<16xf32>
    %swap3A_124 = arith.constant 96 : index
    %swap3A_125 = tpu.vector_load %arg7[%swap3A_124] {strides = array<i32>} : memref<512xf32, #tpu.memory_space<vmem>>, vector<16xf32>,
    %swap3A_126 = vector.shape_cast %swap3A_125 : vector<16xf32> to vector<16xf32>
    %swap3A_127 = vector.shape_cast %add3A_123 : vector<16xf32> to vector<16xf32>
    tpu.vector_store %arg7[%swap3A_124], %swap3A_127 {strides = array<i32>} : memref<512xf32, #tpu.memory_space<vmem>>, vector<16xf32>,
    %get3A_128 = arith.constant 112 : index
    %get3A_129 = tpu.vector_load %arg7[%get3A_128] {strides = array<i32>} : memref<512xf32, #tpu.memory_space<vmem>>, vector<16xf32>,
    %get3A_130 = vector.shape_cast %get3A_129 : vector<16xf32> to vector<16xf32>
    %get3A_131 = arith.constant 112 : index
    %get3A_132 = tpu.vector_load %arg8[%get3A_131] {strides = array<i32>} : memref<512xf32, #tpu.memory_space<vmem>>, vector<16xf32>,
    %get3A_133 = vector.shape_cast %get3A_132 : vector<16xf32> to vector<16xf32>
    %add3A_134 = arith.addf %get3A_130, %get3A_133 : vector<16xf32>
    %swap3A_135 = arith.constant 112 : index
    %swap3A_136 = tpu.vector_load %arg7[%swap3A_135] {strides = array<i32>} : memref<512xf32, #tpu.memory_space<vmem>>, vector<16xf32>,
    %swap3A_137 = vector.shape_cast %swap3A_136 : vector<16xf32> to vector<16xf32>
    %swap3A_138 = vector.shape_cast %add3A_134 : vector<16xf32> to vector<16xf32>
    tpu.vector_store %arg7[%swap3A_135], %swap3A_138 {strides = array<i32>} : memref<512xf32, #tpu.memory_space<vmem>>, vector<16xf32>,
    %get3A_139 = arith.constant 128 : index
    %get3A_140 = tpu.vector_load %arg7[%get3A_139] {strides = array<i32>} : memref<512xf32, #tpu.memory_space<vmem>>, vector<16xf32>,
    %get3A_141 = vector.shape_cast %get3A_140 : vector<16xf32> to vector<16xf32>
    %get3A_142 = arith.constant 128 : index
    %get3A_143 = tpu.vector_load %arg8[%get3A_142] {strides = array<i32>} : memref<512xf32, #tpu.memory_space<vmem>>, vector<16xf32>,
    %get3A_144 = vector.shape_cast %get3A_143 : vector<16xf32> to vector<16xf32>
    %add3A_145 = arith.addf %get3A_141, %get3A_144 : vector<16xf32>
    %swap3A_146 = arith.constant 128 : index
    %swap3A_147 = tpu.vector_load %arg7[%swap3A_146] {strides = array<i32>} : memref<512xf32, #tpu.memory_space<vmem>>, vector<16xf32>,
    %swap3A_148 = vector.shape_cast %swap3A_147 : vector<16xf32> to vector<16xf32>
    %swap3A_149 = vector.shape_cast %add3A_145 : vector<16xf32> to vector<16xf32>
    tpu.vector_store %arg7[%swap3A_146], %swap3A_149 {strides = array<i32>} : memref<512xf32, #tpu.memory_space<vmem>>, vector<16xf32>,
    %get3A_150 = arith.constant 144 : index
    %get3A_151 = tpu.vector_load %arg7[%get3A_150] {strides = array<i32>} : memref<512xf32, #tpu.memory_space<vmem>>, vector<16xf32>,
    %get3A_152 = vector.shape_cast %get3A_151 : vector<16xf32> to vector<16xf32>
    %get3A_153 = arith.constant 144 : index
    %get3A_154 = tpu.vector_load %arg8[%get3A_153] {strides = array<i32>} : memref<512xf32, #tpu.memory_space<vmem>>, vector<16xf32>,
    %get3A_155 = vector.shape_cast %get3A_154 : vector<16xf32> to vector<16xf32>
    %add3A_156 = arith.addf %get3A_152, %get3A_155 : vector<16xf32>
    %swap3A_157 = arith.constant 144 : index
    %swap3A_158 = tpu.vector_load %arg7[%swap3A_157] {strides = array<i32>} : memref<512xf32, #tpu.memory_space<vmem>>, vector<16xf32>,
    %swap3A_159 = vector.shape_cast %swap3A_158 : vector<16xf32> to vector<16xf32>
    %swap3A_160 = vector.shape_cast %add3A_156 : vector<16xf32> to vector<16xf32>
    tpu.vector_store %arg7[%swap3A_157], %swap3A_160 {strides = array<i32>} : memref<512xf32, #tpu.memory_space<vmem>>, vector<16xf32>,
    %get3A_161 = arith.constant 160 : index
    %get3A_162 = tpu.vector_load %arg7[%get3A_161] {strides = array<i32>} : memref<512xf32, #tpu.memory_space<vmem>>, vector<16xf32>,
    %get3A_163 = vector.shape_cast %get3A_162 : vector<16xf32> to vector<16xf32>
    %get3A_164 = arith.constant 160 : index
    %get3A_165 = tpu.vector_load %arg8[%get3A_164] {strides = array<i32>} : memref<512xf32, #tpu.memory_space<vmem>>, vector<16xf32>,
    %get3A_166 = vector.shape_cast %get3A_165 : vector<16xf32> to vector<16xf32>
    %add3A_167 = arith.addf %get3A_163, %get3A_166 : vector<16xf32>
    %swap3A_168 = arith.constant 160 : index
    %swap3A_169 = tpu.vector_load %arg7[%swap3A_168] {strides = array<i32>} : memref<512xf32, #tpu.memory_space<vmem>>, vector<16xf32>,
    %swap3A_170 = vector.shape_cast %swap3A_169 : vector<16xf32> to vector<16xf32>
    %swap3A_171 = vector.shape_cast %add3A_167 : vector<16xf32> to vector<16xf32>
    tpu.vector_store %arg7[%swap3A_168], %swap3A_171 {strides = array<i32>} : memref<512xf32, #tpu.memory_space<vmem>>, vector<16xf32>,
    %get3A_172 = arith.constant 176 : index
    %get3A_173 = tpu.vector_load %arg7[%get3A_172] {strides = array<i32>} : memref<512xf32, #tpu.memory_space<vmem>>, vector<16xf32>,
    %get3A_174 = vector.shape_cast %get3A_173 : vector<16xf32> to vector<16xf32>
    %get3A_175 = arith.constant 176 : index
    %get3A_176 = tpu.vector_load %arg8[%get3A_175] {strides = array<i32>} : memref<512xf32, #tpu.memory_space<vmem>>, vector<16xf32>,
    %get3A_177 = vector.shape_cast %get3A_176 : vector<16xf32> to vector<16xf32>
    %add3A_178 = arith.addf %get3A_174, %get3A_177 : vector<16xf32>
    %swap3A_179 = arith.constant 176 : index
    %swap3A_180 = tpu.vector_load %arg7[%swap3A_179] {strides = array<i32>} : memref<512xf32, #tpu.memory_space<vmem>>, vector<16xf32>,
    %swap3A_181 = vector.shape_cast %swap3A_180 : vector<16xf32> to vector<16xf32>
    %swap3A_182 = vector.shape_cast %add3A_178 : vector<16xf32> to vector<16xf32>
    tpu.vector_store %arg7[%swap3A_179], %swap3A_182 {strides = array<i32>} : memref<512xf32, #tpu.memory_space<vmem>>, vector<16xf32>,
    %get3A_183 = arith.constant 192 : index
    %get3A_184 = tpu.vector_load %arg7[%get3A_183] {strides = array<i32>} : memref<512xf32, #tpu.memory_space<vmem>>, vector<16xf32>,
    %get3A_185 = vector.shape_cast %get3A_184 : vector<16xf32> to vector<16xf32>
    %get3A_186 = arith.constant 192 : index
    %get3A_187 = tpu.vector_load %arg8[%get3A_186] {strides = array<i32>} : memref<512xf32, #tpu.memory_space<vmem>>, vector<16xf32>,
    %get3A_188 = vector.shape_cast %get3A_187 : vector<16xf32> to vector<16xf32>
    %add3A_189 = arith.addf %get3A_185, %get3A_188 : vector<16xf32>
    %swap3A_190 = arith.constant 192 : index
    %swap3A_191 = tpu.vector_load %arg7[%swap3A_190] {strides = array<i32>} : memref<512xf32, #tpu.memory_space<vmem>>, vector<16xf32>,
    %swap3A_192 = vector.shape_cast %swap3A_191 : vector<16xf32> to vector<16xf32>
    %swap3A_193 = vector.shape_cast %add3A_189 : vector<16xf32> to vector<16xf32>
    tpu.vector_store %arg7[%swap3A_190], %swap3A_193 {strides = array<i32>} : memref<512xf32, #tpu.memory_space<vmem>>, vector<16xf32>,
    %get3A_194 = arith.constant 208 : index
    %get3A_195 = tpu.vector_load %arg7[%get3A_194] {strides = array<i32>} : memref<512xf32, #tpu.memory_space<vmem>>, vector<16xf32>,
    %get3A_196 = vector.shape_cast %get3A_195 : vector<16xf32> to vector<16xf32>
    %get3A_197 = arith.constant 208 : index
    %get3A_198 = tpu.vector_load %arg8[%get3A_197] {strides = array<i32>} : memref<512xf32, #tpu.memory_space<vmem>>, vector<16xf32>,
    %get3A_199 = vector.shape_cast %get3A_198 : vector<16xf32> to vector<16xf32>
    %add3A_200 = arith.addf %get3A_196, %get3A_199 : vector<16xf32>
    %swap3A_201 = arith.constant 208 : index
    %swap3A_202 = tpu.vector_load %arg7[%swap3A_201] {strides = array<i32>} : memref<512xf32, #tpu.memory_space<vmem>>, vector<16xf32>,
    %swap3A_203 = vector.shape_cast %swap3A_202 : vector<16xf32> to vector<16xf32>
    %swap3A_204 = vector.shape_cast %add3A_200 : vector<16xf32> to vector<16xf32>
    tpu.vector_store %arg7[%swap3A_201], %swap3A_204 {strides = array<i32>} : memref<512xf32, #tpu.memory_space<vmem>>, vector<16xf32>,
    %get3A_205 = arith.constant 224 : index
    %get3A_206 = tpu.vector_load %arg7[%get3A_205] {strides = array<i32>} : memref<512xf32, #tpu.memory_space<vmem>>, vector<16xf32>,
    %get3A_207 = vector.shape_cast %get3A_206 : vector<16xf32> to vector<16xf32>
    %get3A_208 = arith.constant 224 : index
    %get3A_209 = tpu.vector_load %arg8[%get3A_208] {strides = array<i32>} : memref<512xf32, #tpu.memory_space<vmem>>, vector<16xf32>,
    %get3A_210 = vector.shape_cast %get3A_209 : vector<16xf32> to vector<16xf32>
    %add3A_211 = arith.addf %get3A_207, %get3A_210 : vector<16xf32>
    %swap3A_212 = arith.constant 224 : index
    %swap3A_213 = tpu.vector_load %arg7[%swap3A_212] {strides = array<i32>} : memref<512xf32, #tpu.memory_space<vmem>>, vector<16xf32>,
    %swap3A_214 = vector.shape_cast %swap3A_213 : vector<16xf32> to vector<16xf32>
    %swap3A_215 = vector.shape_cast %add3A_211 : vector<16xf32> to vector<16xf32>
    tpu.vector_store %arg7[%swap3A_212], %swap3A_215 {strides = array<i32>} : memref<512xf32, #tpu.memory_space<vmem>>, vector<16xf32>,
    %get3A_216 = arith.constant 240 : index
    %get3A_217 = tpu.vector_load %arg7[%get3A_216] {strides = array<i32>} : memref<512xf32, #tpu.memory_space<vmem>>, vector<16xf32>,
    %get3A_218 = vector.shape_cast %get3A_217 : vector<16xf32> to vector<16xf32>
    %get3A_219 = arith.constant 240 : index
    %get3A_220 = tpu.vector_load %arg8[%get3A_219] {strides = array<i32>} : memref<512xf32, #tpu.memory_space<vmem>>, vector<16xf32>,
    %get3A_221 = vector.shape_cast %get3A_220 : vector<16xf32> to vector<16xf32>
    %add3A_222 = arith.addf %get3A_218, %get3A_221 : vector<16xf32>
    %swap3A_223 = arith.constant 240 : index
    %swap3A_224 = tpu.vector_load %arg7[%swap3A_223] {strides = array<i32>} : memref<512xf32, #tpu.memory_space<vmem>>, vector<16xf32>,
    %swap3A_225 = vector.shape_cast %swap3A_224 : vector<16xf32> to vector<16xf32>
    %swap3A_226 = vector.shape_cast %add3A_222 : vector<16xf32> to vector<16xf32>
    tpu.vector_store %arg7[%swap3A_223], %swap3A_226 {strides = array<i32>} : memref<512xf32, #tpu.memory_space<vmem>>, vector<16xf32>,
    %get3A_227 = arith.constant 256 : index
    %get3A_228 = tpu.vector_load %arg7[%get3A_227] {strides = array<i32>} : memref<512xf32, #tpu.memory_space<vmem>>, vector<16xf32>,
    %get3A_229 = vector.shape_cast %get3A_228 : vector<16xf32> to vector<16xf32>
    %get3A_230 = arith.constant 256 : index
    %get3A_231 = tpu.vector_load %arg8[%get3A_230] {strides = array<i32>} : memref<512xf32, #tpu.memory_space<vmem>>, vector<16xf32>,
    %get3A_232 = vector.shape_cast %get3A_231 : vector<16xf32> to vector<16xf32>
    %add3A_233 = arith.addf %get3A_229, %get3A_232 : vector<16xf32>
    %swap3A_234 = arith.constant 256 : index
    %swap3A_235 = tpu.vector_load %arg7[%swap3A_234] {strides = array<i32>} : memref<512xf32, #tpu.memory_space<vmem>>, vector<16xf32>,
    %swap3A_236 = vector.shape_cast %swap3A_235 : vector<16xf32> to vector<16xf32>
    %swap3A_237 = vector.shape_cast %add3A_233 : vector<16xf32> to vector<16xf32>
    tpu.vector_store %arg7[%swap3A_234], %swap3A_237 {strides = array<i32>} : memref<512xf32, #tpu.memory_space<vmem>>, vector<16xf32>,
    %get3A_238 = arith.constant 272 : index
    %get3A_239 = tpu.vector_load %arg7[%get3A_238] {strides = array<i32>} : memref<512xf32, #tpu.memory_space<vmem>>, vector<16xf32>,
    %get3A_240 = vector.shape_cast %get3A_239 : vector<16xf32> to vector<16xf32>
    %get3A_241 = arith.constant 272 : index
    %get3A_242 = tpu.vector_load %arg8[%get3A_241] {strides = array<i32>} : memref<512xf32, #tpu.memory_space<vmem>>, vector<16xf32>,
    %get3A_243 = vector.shape_cast %get3A_242 : vector<16xf32> to vector<16xf32>
    %add3A_244 = arith.addf %get3A_240, %get3A_243 : vector<16xf32>
    %swap3A_245 = arith.constant 272 : index
    %swap3A_246 = tpu.vector_load %arg7[%swap3A_245] {strides = array<i32>} : memref<512xf32, #tpu.memory_space<vmem>>, vector<16xf32>,
    %swap3A_247 = vector.shape_cast %swap3A_246 : vector<16xf32> to vector<16xf32>
    %swap3A_248 = vector.shape_cast %add3A_244 : vector<16xf32> to vector<16xf32>
    tpu.vector_store %arg7[%swap3A_245], %swap3A_248 {strides = array<i32>} : memref<512xf32, #tpu.memory_space<vmem>>, vector<16xf32>,
    %get3A_249 = arith.constant 288 : index
    %get3A_250 = tpu.vector_load %arg7[%get3A_249] {strides = array<i32>} : memref<512xf32, #tpu.memory_space<vmem>>, vector<16xf32>,
    %get3A_251 = vector.shape_cast %get3A_250 : vector<16xf32> to vector<16xf32>
    %get3A_252 = arith.constant 288 : index
    %get3A_253 = tpu.vector_load %arg8[%get3A_252] {strides = array<i32>} : memref<512xf32, #tpu.memory_space<vmem>>, vector<16xf32>,
    %get3A_254 = vector.shape_cast %get3A_253 : vector<16xf32> to vector<16xf32>
    %add3A_255 = arith.addf %get3A_251, %get3A_254 : vector<16xf32>
    %swap3A_256 = arith.constant 288 : index
    %swap3A_257 = tpu.vector_load %arg7[%swap3A_256] {strides = array<i32>} : memref<512xf32, #tpu.memory_space<vmem>>, vector<16xf32>,
    %swap3A_258 = vector.shape_cast %swap3A_257 : vector<16xf32> to vector<16xf32>
    %swap3A_259 = vector.shape_cast %add3A_255 : vector<16xf32> to vector<16xf32>
    tpu.vector_store %arg7[%swap3A_256], %swap3A_259 {strides = array<i32>} : memref<512xf32, #tpu.memory_space<vmem>>, vector<16xf32>,
    %get3A_260 = arith.constant 304 : index
    %get3A_261 = tpu.vector_load %arg7[%get3A_260] {strides = array<i32>} : memref<512xf32, #tpu.memory_space<vmem>>, vector<16xf32>,
    %get3A_262 = vector.shape_cast %get3A_261 : vector<16xf32> to vector<16xf32>
    %get3A_263 = arith.constant 304 : index
    %get3A_264 = tpu.vector_load %arg8[%get3A_263] {strides = array<i32>} : memref<512xf32, #tpu.memory_space<vmem>>, vector<16xf32>,
    %get3A_265 = vector.shape_cast %get3A_264 : vector<16xf32> to vector<16xf32>
    %add3A_266 = arith.addf %get3A_262, %get3A_265 : vector<16xf32>
    %swap3A_267 = arith.constant 304 : index
    %swap3A_268 = tpu.vector_load %arg7[%swap3A_267] {strides = array<i32>} : memref<512xf32, #tpu.memory_space<vmem>>, vector<16xf32>,
    %swap3A_269 = vector.shape_cast %swap3A_268 : vector<16xf32> to vector<16xf32>
    %swap3A_270 = vector.shape_cast %add3A_266 : vector<16xf32> to vector<16xf32>
    tpu.vector_store %arg7[%swap3A_267], %swap3A_270 {strides = array<i32>} : memref<512xf32, #tpu.memory_space<vmem>>, vector<16xf32>,
    %get3A_271 = arith.constant 320 : index
    %get3A_272 = tpu.vector_load %arg7[%get3A_271] {strides = array<i32>} : memref<512xf32, #tpu.memory_space<vmem>>, vector<16xf32>,
    %get3A_273 = vector.shape_cast %get3A_272 : vector<16xf32> to vector<16xf32>
    %get3A_274 = arith.constant 320 : index
    %get3A_275 = tpu.vector_load %arg8[%get3A_274] {strides = array<i32>} : memref<512xf32, #tpu.memory_space<vmem>>, vector<16xf32>,
    %get3A_276 = vector.shape_cast %get3A_275 : vector<16xf32> to vector<16xf32>
    %add3A_277 = arith.addf %get3A_273, %get3A_276 : vector<16xf32>
    %swap3A_278 = arith.constant 320 : index
    %swap3A_279 = tpu.vector_load %arg7[%swap3A_278] {strides = array<i32>} : memref<512xf32, #tpu.memory_space<vmem>>, vector<16xf32>,
    %swap3A_280 = vector.shape_cast %swap3A_279 : vector<16xf32> to vector<16xf32>
    %swap3A_281 = vector.shape_cast %add3A_277 : vector<16xf32> to vector<16xf32>
    tpu.vector_store %arg7[%swap3A_278], %swap3A_281 {strides = array<i32>} : memref<512xf32, #tpu.memory_space<vmem>>, vector<16xf32>,
    %get3A_282 = arith.constant 336 : index
    %get3A_283 = tpu.vector_load %arg7[%get3A_282] {strides = array<i32>} : memref<512xf32, #tpu.memory_space<vmem>>, vector<16xf32>,
    %get3A_284 = vector.shape_cast %get3A_283 : vector<16xf32> to vector<16xf32>
    %get3A_285 = arith.constant 336 : index
    %get3A_286 = tpu.vector_load %arg8[%get3A_285] {strides = array<i32>} : memref<512xf32, #tpu.memory_space<vmem>>, vector<16xf32>,
    %get3A_287 = vector.shape_cast %get3A_286 : vector<16xf32> to vector<16xf32>
    %add3A_288 = arith.addf %get3A_284, %get3A_287 : vector<16xf32>
    %swap3A_289 = arith.constant 336 : index
    %swap3A_290 = tpu.vector_load %arg7[%swap3A_289] {strides = array<i32>} : memref<512xf32, #tpu.memory_space<vmem>>, vector<16xf32>,
    %swap3A_291 = vector.shape_cast %swap3A_290 : vector<16xf32> to vector<16xf32>
    %swap3A_292 = vector.shape_cast %add3A_288 : vector<16xf32> to vector<16xf32>
    tpu.vector_store %arg7[%swap3A_289], %swap3A_292 {strides = array<i32>} : memref<512xf32, #tpu.memory_space<vmem>>, vector<16xf32>,
    %get3A_293 = arith.constant 352 : index
    %get3A_294 = tpu.vector_load %arg7[%get3A_293] {strides = array<i32>} : memref<512xf32, #tpu.memory_space<vmem>>, vector<16xf32>,
    %get3A_295 = vector.shape_cast %get3A_294 : vector<16xf32> to vector<16xf32>
    %get3A_296 = arith.constant 352 : index
    %get3A_297 = tpu.vector_load %arg8[%get3A_296] {strides = array<i32>} : memref<512xf32, #tpu.memory_space<vmem>>, vector<16xf32>,
    %get3A_298 = vector.shape_cast %get3A_297 : vector<16xf32> to vector<16xf32>
    %add3A_299 = arith.addf %get3A_295, %get3A_298 : vector<16xf32>
    %swap3A_300 = arith.constant 352 : index
    %swap3A_301 = tpu.vector_load %arg7[%swap3A_300] {strides = array<i32>} : memref<512xf32, #tpu.memory_space<vmem>>, vector<16xf32>,
    %swap3A_302 = vector.shape_cast %swap3A_301 : vector<16xf32> to vector<16xf32>
    %swap3A_303 = vector.shape_cast %add3A_299 : vector<16xf32> to vector<16xf32>
    tpu.vector_store %arg7[%swap3A_300], %swap3A_303 {strides = array<i32>} : memref<512xf32, #tpu.memory_space<vmem>>, vector<16xf32>,
    %get3A_304 = arith.constant 368 : index
    %get3A_305 = tpu.vector_load %arg7[%get3A_304] {strides = array<i32>} : memref<512xf32, #tpu.memory_space<vmem>>, vector<16xf32>,
    %get3A_306 = vector.shape_cast %get3A_305 : vector<16xf32> to vector<16xf32>
    %get3A_307 = arith.constant 368 : index
    %get3A_308 = tpu.vector_load %arg8[%get3A_307] {strides = array<i32>} : memref<512xf32, #tpu.memory_space<vmem>>, vector<16xf32>,
    %get3A_309 = vector.shape_cast %get3A_308 : vector<16xf32> to vector<16xf32>
    %add3A_310 = arith.addf %get3A_306, %get3A_309 : vector<16xf32>
    %swap3A_311 = arith.constant 368 : index
    %swap3A_312 = tpu.vector_load %arg7[%swap3A_311] {strides = array<i32>} : memref<512xf32, #tpu.memory_space<vmem>>, vector<16xf32>,
    %swap3A_313 = vector.shape_cast %swap3A_312 : vector<16xf32> to vector<16xf32>
    %swap3A_314 = vector.shape_cast %add3A_310 : vector<16xf32> to vector<16xf32>
    tpu.vector_store %arg7[%swap3A_311], %swap3A_314 {strides = array<i32>} : memref<512xf32, #tpu.memory_space<vmem>>, vector<16xf32>,
    %get3A_315 = arith.constant 384 : index
    %get3A_316 = tpu.vector_load %arg7[%get3A_315] {strides = array<i32>} : memref<512xf32, #tpu.memory_space<vmem>>, vector<16xf32>,
    %get3A_317 = vector.shape_cast %get3A_316 : vector<16xf32> to vector<16xf32>
    %get3A_318 = arith.constant 384 : index
    %get3A_319 = tpu.vector_load %arg8[%get3A_318] {strides = array<i32>} : memref<512xf32, #tpu.memory_space<vmem>>, vector<16xf32>,
    %get3A_320 = vector.shape_cast %get3A_319 : vector<16xf32> to vector<16xf32>
    %add3A_321 = arith.addf %get3A_317, %get3A_320 : vector<16xf32>
    %swap3A_322 = arith.constant 384 : index
    %swap3A_323 = tpu.vector_load %arg7[%swap3A_322] {strides = array<i32>} : memref<512xf32, #tpu.memory_space<vmem>>, vector<16xf32>,
    %swap3A_324 = vector.shape_cast %swap3A_323 : vector<16xf32> to vector<16xf32>
    %swap3A_325 = vector.shape_cast %add3A_321 : vector<16xf32> to vector<16xf32>
    tpu.vector_store %arg7[%swap3A_322], %swap3A_325 {strides = array<i32>} : memref<512xf32, #tpu.memory_space<vmem>>, vector<16xf32>,
    %get3A_326 = arith.constant 400 : index
    %get3A_327 = tpu.vector_load %arg7[%get3A_326] {strides = array<i32>} : memref<512xf32, #tpu.memory_space<vmem>>, vector<16xf32>,
    %get3A_328 = vector.shape_cast %get3A_327 : vector<16xf32> to vector<16xf32>
    %get3A_329 = arith.constant 400 : index
    %get3A_330 = tpu.vector_load %arg8[%get3A_329] {strides = array<i32>} : memref<512xf32, #tpu.memory_space<vmem>>, vector<16xf32>,
    %get3A_331 = vector.shape_cast %get3A_330 : vector<16xf32> to vector<16xf32>
    %add3A_332 = arith.addf %get3A_328, %get3A_331 : vector<16xf32>
    %swap3A_333 = arith.constant 400 : index
    %swap3A_334 = tpu.vector_load %arg7[%swap3A_333] {strides = array<i32>} : memref<512xf32, #tpu.memory_space<vmem>>, vector<16xf32>,
    %swap3A_335 = vector.shape_cast %swap3A_334 : vector<16xf32> to vector<16xf32>
    %swap3A_336 = vector.shape_cast %add3A_332 : vector<16xf32> to vector<16xf32>
    tpu.vector_store %arg7[%swap3A_333], %swap3A_336 {strides = array<i32>} : memref<512xf32, #tpu.memory_space<vmem>>, vector<16xf32>,
    %get3A_337 = arith.constant 416 : index
    %get3A_338 = tpu.vector_load %arg7[%get3A_337] {strides = array<i32>} : memref<512xf32, #tpu.memory_space<vmem>>, vector<16xf32>,
    %get3A_339 = vector.shape_cast %get3A_338 : vector<16xf32> to vector<16xf32>
    %get3A_340 = arith.constant 416 : index
    %get3A_341 = tpu.vector_load %arg8[%get3A_340] {strides = array<i32>} : memref<512xf32, #tpu.memory_space<vmem>>, vector<16xf32>,
    %get3A_342 = vector.shape_cast %get3A_341 : vector<16xf32> to vector<16xf32>
    %add3A_343 = arith.addf %get3A_339, %get3A_342 : vector<16xf32>
    %swap3A_344 = arith.constant 416 : index
    %swap3A_345 = tpu.vector_load %arg7[%swap3A_344] {strides = array<i32>} : memref<512xf32, #tpu.memory_space<vmem>>, vector<16xf32>,
    %swap3A_346 = vector.shape_cast %swap3A_345 : vector<16xf32> to vector<16xf32>
    %swap3A_347 = vector.shape_cast %add3A_343 : vector<16xf32> to vector<16xf32>
    tpu.vector_store %arg7[%swap3A_344], %swap3A_347 {strides = array<i32>} : memref<512xf32, #tpu.memory_space<vmem>>, vector<16xf32>,
    %get3A_348 = arith.constant 432 : index
    %get3A_349 = tpu.vector_load %arg7[%get3A_348] {strides = array<i32>} : memref<512xf32, #tpu.memory_space<vmem>>, vector<16xf32>,
    %get3A_350 = vector.shape_cast %get3A_349 : vector<16xf32> to vector<16xf32>
    %get3A_351 = arith.constant 432 : index
    %get3A_352 = tpu.vector_load %arg8[%get3A_351] {strides = array<i32>} : memref<512xf32, #tpu.memory_space<vmem>>, vector<16xf32>,
    %get3A_353 = vector.shape_cast %get3A_352 : vector<16xf32> to vector<16xf32>
    %add3A_354 = arith.addf %get3A_350, %get3A_353 : vector<16xf32>
    %swap3A_355 = arith.constant 432 : index
    %swap3A_356 = tpu.vector_load %arg7[%swap3A_355] {strides = array<i32>} : memref<512xf32, #tpu.memory_space<vmem>>, vector<16xf32>,
    %swap3A_357 = vector.shape_cast %swap3A_356 : vector<16xf32> to vector<16xf32>
    %swap3A_358 = vector.shape_cast %add3A_354 : vector<16xf32> to vector<16xf32>
    tpu.vector_store %arg7[%swap3A_355], %swap3A_358 {strides = array<i32>} : memref<512xf32, #tpu.memory_space<vmem>>, vector<16xf32>,
    %get3A_359 = arith.constant 448 : index
    %get3A_360 = tpu.vector_load %arg7[%get3A_359] {strides = array<i32>} : memref<512xf32, #tpu.memory_space<vmem>>, vector<16xf32>,
    %get3A_361 = vector.shape_cast %get3A_360 : vector<16xf32> to vector<16xf32>
    %get3A_362 = arith.constant 448 : index
    %get3A_363 = tpu.vector_load %arg8[%get3A_362] {strides = array<i32>} : memref<512xf32, #tpu.memory_space<vmem>>, vector<16xf32>,
    %get3A_364 = vector.shape_cast %get3A_363 : vector<16xf32> to vector<16xf32>
    %add3A_365 = arith.addf %get3A_361, %get3A_364 : vector<16xf32>
    %swap3A_366 = arith.constant 448 : index
    %swap3A_367 = tpu.vector_load %arg7[%swap3A_366] {strides = array<i32>} : memref<512xf32, #tpu.memory_space<vmem>>, vector<16xf32>,
    %swap3A_368 = vector.shape_cast %swap3A_367 : vector<16xf32> to vector<16xf32>
    %swap3A_369 = vector.shape_cast %add3A_365 : vector<16xf32> to vector<16xf32>
    tpu.vector_store %arg7[%swap3A_366], %swap3A_369 {strides = array<i32>} : memref<512xf32, #tpu.memory_space<vmem>>, vector<16xf32>,
    %get3A_370 = arith.constant 464 : index
    %get3A_371 = tpu.vector_load %arg7[%get3A_370] {strides = array<i32>} : memref<512xf32, #tpu.memory_space<vmem>>, vector<16xf32>,
    %get3A_372 = vector.shape_cast %get3A_371 : vector<16xf32> to vector<16xf32>
    %get3A_373 = arith.constant 464 : index
    %get3A_374 = tpu.vector_load %arg8[%get3A_373] {strides = array<i32>} : memref<512xf32, #tpu.memory_space<vmem>>, vector<16xf32>,
    %get3A_375 = vector.shape_cast %get3A_374 : vector<16xf32> to vector<16xf32>
    %add3A_376 = arith.addf %get3A_372, %get3A_375 : vector<16xf32>
    %swap3A_377 = arith.constant 464 : index
    %swap3A_378 = tpu.vector_load %arg7[%swap3A_377] {strides = array<i32>} : memref<512xf32, #tpu.memory_space<vmem>>, vector<16xf32>,
    %swap3A_379 = vector.shape_cast %swap3A_378 : vector<16xf32> to vector<16xf32>
    %swap3A_380 = vector.shape_cast %add3A_376 : vector<16xf32> to vector<16xf32>
    tpu.vector_store %arg7[%swap3A_377], %swap3A_380 {strides = array<i32>} : memref<512xf32, #tpu.memory_space<vmem>>, vector<16xf32>,
    %get3A_381 = arith.constant 480 : index
    %get3A_382 = tpu.vector_load %arg7[%get3A_381] {strides = array<i32>} : memref<512xf32, #tpu.memory_space<vmem>>, vector<16xf32>,
    %get3A_383 = vector.shape_cast %get3A_382 : vector<16xf32> to vector<16xf32>
    %get3A_384 = arith.constant 480 : index
    %get3A_385 = tpu.vector_load %arg8[%get3A_384] {strides = array<i32>} : memref<512xf32, #tpu.memory_space<vmem>>, vector<16xf32>,
    %get3A_386 = vector.shape_cast %get3A_385 : vector<16xf32> to vector<16xf32>
    %add3A_387 = arith.addf %get3A_383, %get3A_386 : vector<16xf32>
    %swap3A_388 = arith.constant 480 : index
    %swap3A_389 = tpu.vector_load %arg7[%swap3A_388] {strides = array<i32>} : memref<512xf32, #tpu.memory_space<vmem>>, vector<16xf32>,
    %swap3A_390 = vector.shape_cast %swap3A_389 : vector<16xf32> to vector<16xf32>
    %swap3A_391 = vector.shape_cast %add3A_387 : vector<16xf32> to vector<16xf32>
    tpu.vector_store %arg7[%swap3A_388], %swap3A_391 {strides = array<i32>} : memref<512xf32, #tpu.memory_space<vmem>>, vector<16xf32>,
    %get3A_392 = arith.constant 496 : index
    %get3A_393 = tpu.vector_load %arg7[%get3A_392] {strides = array<i32>} : memref<512xf32, #tpu.memory_space<vmem>>, vector<16xf32>,
    %get3A_394 = vector.shape_cast %get3A_393 : vector<16xf32> to vector<16xf32>
    %get3A_395 = arith.constant 496 : index
    %get3A_396 = tpu.vector_load %arg8[%get3A_395] {strides = array<i32>} : memref<512xf32, #tpu.memory_space<vmem>>, vector<16xf32>,
    %get3A_397 = vector.shape_cast %get3A_396 : vector<16xf32> to vector<16xf32>
    %add3A_398 = arith.addf %get3A_394, %get3A_397 : vector<16xf32>
    %swap3A_399 = arith.constant 496 : index
    %swap3A_400 = tpu.vector_load %arg7[%swap3A_399] {strides = array<i32>} : memref<512xf32, #tpu.memory_space<vmem>>, vector<16xf32>,
    %swap3A_401 = vector.shape_cast %swap3A_400 : vector<16xf32> to vector<16xf32>
    %swap3A_402 = vector.shape_cast %add3A_398 : vector<16xf32> to vector<16xf32>
    tpu.vector_store %arg7[%swap3A_399], %swap3A_402 {strides = array<i32>} : memref<512xf32, #tpu.memory_space<vmem>>, vector<16xf32>,
    "tpu.region"() ({
      %run_scoped3A = tpu.sem_alloc : memref<!tpu.dma_semaphore, #tpu.memory_space<semaphore_mem>>
      %dma_start3A_403 = tpu.memref_slice %arg5[%mul3A_2] : memref<16384xf32, #tpu.memory_space<hbm>> -> memref<512xf32, #tpu.memory_space<hbm>>
      %dma_start3A_404 = tpu.memref_slice %arg5[%mul3A_2] : memref<16384xf32, #tpu.memory_space<hbm>> -> memref<512xf32, #tpu.memory_space<hbm>>
      tpu.enqueue_dma source(%arg7 : memref<512xf32, #tpu.memory_space<vmem>>) target(%dma_start3A_404 : memref<512xf32, #tpu.memory_space<hbm>>) target_semaphore(%run_scoped3A : memref<!tpu.dma_semaphore, #tpu.memory_space<semaphore_mem>>)
      %dma_wait3A_405 = tpu.memref_slice %arg5[%mul3A_2] : memref<16384xf32, #tpu.memory_space<hbm>> -> memref<512xf32, #tpu.memory_space<hbm>>
      %dma_wait3A_406 = tpu.memref_slice %arg5[%mul3A_2] : memref<16384xf32, #tpu.memory_space<hbm>> -> memref<512xf32, #tpu.memory_space<hbm>>
      tpu.wait_dma2 semaphore(%run_scoped3A : memref<!tpu.dma_semaphore, #tpu.memory_space<semaphore_mem>>) src(%arg7 : memref<512xf32, #tpu.memory_space<vmem>>) dst(%dma_wait3A_406 : memref<512xf32, #tpu.memory_space<hbm>>)
      tpu.yield
    }) : () -> ()
    return
  }
}

</mosaic_0001>

<sc_bundles>
// kernel: _run.4.cloned.1.call-start
scs
__scs_entry_jumppad:
0x0: {  	(pc) =	sbr.rel $0x88, $3  }
0x1: {  	(tag) =	ssettag $0x0;
	lr =	simm.s32 $0x1  }
0x2: {  	[smem:$0x3F9D] =	sst lr;
	_ =	strace $0xD0000000  }
0x3: {  	_ = 	snop  }
0x4: {  	_ = 	snop  }
0x5: {  	_ = 	snop  }
0x6: {  	_ = 	snop  }
0x7: {  	_ = 	snop  }
__scs_overlays_trampoline_lowered:
0x8: {  	[smem:$0x3FAC] =	sst s0  }
0x9: {  	[smem:$0x3FAD] =	sst s1  }
0xa: {  	[smem:$0x3FAE] =	sst s2  }
0xb: {  	[smem:$0x3FAF] =	sst s3  }
0xc: {  	[smem:$0x3FB0] =	sst s4  }
0xd: {  	[smem:$0x3FB1] =	sst s5  }
0xe: {  	[smem:$0x3FB2] =	sst s6  }
0xf: {  	[smem:$0x3FB3] =	sst s7  }
0x10: {  	[smem:$0x3FB4] =	sst s8  }
0x11: {  	[smem:$0x3FB5] =	sst s9;
	s0 =	simm.s32 @!p0 $0x0  }
0x12: {  	s1 =	sld [smem:$0x3F9B];
	s0 =	simm.s32 @p0 $0x1  }
0x13: {  	[smem:$0x3FB6] =	sst s0;
	s0 =	simm.s32 @!p1 $0x0  }
0x14: {  	s2 =	sld [smem:$0x3F9A];
	s0 =	simm.s32 @p1 $0x1  }
0x15: {  	[smem:$0x3FB7] =	sst s0;
	s0 =	simm.s32 @!p2 $0x0  }
0x16: {  	s3 =	sld [smem:$0x3FDB];
	s0 =	simm.s32 @p2 $0x1  }
0x17: {  	s4 =	simm.s32 $0x1BF5;
	[smem:$0x3FB9] =	sst s0  }
0x18: {  	s0 =	sld [smem:$0x3F9C];
	_ =	swait.ge [sflag:s4], $0x0  }
0x19: {  	s7 =	sld [smem:$0x3F9D]  }
0x1a: {  	s8 =	sadd.s32 $0xFFFFE003, lr  }
0x1b: {  	s9 =	sadd.s32 $0xFFFFFEF7, lr;
	s5 =	simm.s32 $0xFFFFFFFF;
	p2 =	slt.u32 s8, $0xFFFFF086  }
0x1c: {  	p1 =	slt.u32 s9, $0xF7A;
	s5 =	simm.s32 @!p2 $0x0  }
0x1d: {  	s5 =	simm.s32 @p1 $0x1;
	p0 =	seq.s32 s7, s2  }
0x1e: {  	s7 =	smul.u32 @!p0 $0xF7A, s2;
	p2 =	seq.s32 @!p0 s5, $0x0  }
0x1f: {  	s9 =	smul.u32 $0xF7A, s1;
	s8 =	simm.s32 @!p0 $0x1BF5;
	p2 =	por !p2, p0  }
0x20: {  	[sflag:s8] =	ssyncset.s32 @!p0 $0xFFFFF086;
	s6 =	sadd.s32 @!p0 s3, s7;
	s7 =	simm.s32 @!p0 $0x108  }
0x21: {  	s3 =	sadd.s32 s3, s9;
	s6 =	sadd.s32 @!p0 $0x88, s6;
	s7 =	simm.s32 @p2 $0x1082  }
0x22: {  	[simem:s7], [sflag:s8] =	dma.local @!p0 [hbm:s6], $0xF7A  }
0x23: {  	s9 =	sor.u32 $0xD0000000, s2;
	s6 =	simm.s32 $0x108;
	_ =	swait.ge @!p0 [sflag:s8], $0x0  }
0x24: {  	s3 =	sadd.s32 $0x88, s3;
	s6 =	simm.s32 @!p1 $0x1082;
	[sflag:s4] =	ssyncset.s32 $0xFFFFF086  }
0x25: {  	[simem:s6], [sflag:s4] =	dma.local [hbm:s3], $0xF7A  }
0x26: {  	[smem:$0x3F9D] =	sst s1;
	(tag) =	ssettag s2;
	_ =	strace s9  }
0x27: {  	s1 =	sld [smem:$0x3FAD]  }
0x28: {  	s2 =	sld [smem:$0x3FAE]  }
0x29: {  	s4 =	sld [smem:$0x3FB0]  }
0x2a: {  	p0 =	seq.s32 s5, $0x0;
	s5 =	sld [smem:$0x3FB1]  }
0x2b: {  	s6 =	sld [smem:$0x3FB2]  }
0x2c: {  	s7 =	sld [smem:$0x3FB3]  }
0x2d: {  	s3 =	simm.s32 $0x108;
	s8 =	sld [smem:$0x3FB4]  }
0x2e: {  	s3 =	simm.s32 @!p0 $0x1082;
	s9 =	sld [smem:$0x3FB5]  }
0x2f: {  	lr =	sadd.s32 s0, s3;
	s0 =	sld [smem:$0x3FAC]  }
0x30: {  	s3 =	sld [smem:$0x3FAF]  }
0x31: {  	[smem:$0x3FB8] =	sst s10  }
0x32: {  	s10 =	sld [smem:$0x3FB6];
	_ =	sdelay $0x3  }
0x33: {  	p0 =	seq.s32 s10, $0x1;
	s10 =	sld [smem:$0x3FB8];
	_ =	sdelay $0x3  }
0x34: {  	[smem:$0x3FB8] =	sst s10  }
0x35: {  	s10 =	sld [smem:$0x3FB7];
	_ =	sdelay $0x3  }
0x36: {  	p1 =	seq.s32 s10, $0x1;
	s10 =	sld [smem:$0x3FB8];
	_ =	sdelay $0x3  }
0x37: {  	[smem:$0x3FB8] =	sst s10  }
0x38: {  	s10 =	sld [smem:$0x3FB9]  }
0x39: {  	_ = 	snop;
	(pc) =	sbr.ind lr, $3  }
0x3a: {  	_ = 	snop  }
0x3b: {  	_ = 	snop  }
0x3c: {  	p2 =	seq.s32 s10, $0x1;
	s10 =	sld [smem:$0x3FB8]  }
0x3d: {  	_ =	shalt  }
0x3e: {  	_ =	shalt  }
0x3f: {  	_ =	shalt  }
0x40: {  	_ =	shalt  }
0x41: {  	_ =	shalt  }
0x42: {  	_ =	shalt  }
0x43: {  	_ =	shalt  }
0x44: {  	_ =	shalt  }
0x45: {  	_ =	shalt  }
0x46: {  	_ =	shalt  }
0x47: {  	_ =	shalt  }
0x48: {  	_ =	shalt  }
0x49: {  	_ =	shalt  }
0x4a: {  	_ =	shalt  }
0x4b: {  	_ =	shalt  }
0x4c: {  	_ =	shalt  }
0x4d: {  	_ =	shalt  }
0x4e: {  	_ =	shalt  }
0x4f: {  	_ =	shalt  }
0x50: {  	_ =	shalt  }
0x51: {  	_ =	shalt  }
0x52: {  	_ =	shalt  }
0x53: {  	_ =	shalt  }
0x54: {  	_ =	shalt  }
0x55: {  	_ =	shalt  }
0x56: {  	_ =	shalt  }
0x57: {  	_ =	shalt  }
0x58: {  	_ =	shalt  }
0x59: {  	_ =	shalt  }
0x5a: {  	_ =	shalt  }
0x5b: {  	_ =	shalt  }
0x5c: {  	_ =	shalt  }
0x5d: {  	_ =	shalt  }
0x5e: {  	_ =	shalt  }
0x5f: {  	_ =	shalt  }
0x60: {  	_ =	shalt  }
0x61: {  	_ =	shalt  }
0x62: {  	_ =	shalt  }
0x63: {  	_ =	shalt  }
0x64: {  	_ =	shalt  }
0x65: {  	_ =	shalt  }
0x66: {  	_ =	shalt  }
0x67: {  	_ =	shalt  }
0x68: {  	_ =	shalt  }
0x69: {  	_ =	shalt  }
0x6a: {  	_ =	shalt  }
0x6b: {  	_ =	shalt  }
0x6c: {  	_ =	shalt  }
0x6d: {  	_ =	shalt  }
0x6e: {  	_ =	shalt  }
0x6f: {  	_ =	shalt  }
0x70: {  	_ =	shalt  }
0x71: {  	_ =	shalt  }
0x72: {  	_ =	shalt  }
0x73: {  	_ =	shalt  }
0x74: {  	_ =	shalt  }
0x75: {  	_ =	shalt  }
0x76: {  	_ =	shalt  }
0x77: {  	_ =	shalt  }
0x78: {  	_ =	shalt  }
0x79: {  	_ =	shalt  }
0x7a: {  	_ =	shalt  }
0x7b: {  	_ =	shalt  }
0x7c: {  	_ =	shalt  }
0x7d: {  	_ =	shalt  }
0x7e: {  	_ =	shalt  }
0x7f: {  	_ =	shalt  }
0x80: {  	_ =	shalt  }
0x81: {  	_ =	shalt  }
0x82: {  	_ =	shalt  }
0x83: {  	_ =	shalt  }
0x84: {  	_ =	shalt  }
0x85: {  	_ =	shalt  }
0x86: {  	_ =	shalt  }
0x87: {  	_ =	shalt  }
.Lfunc_end0:
.L_simem_size_0:
called_computation_lowered:
.L_overlay_start_0:
0x88: {  	s2 =	sld [smem:$0x3FD9]  }
0x89: {  	s3 =	sld [smem:$0x3FFE];
	_ =	sdelay $0x1  }
0x8a: {  	s1 =	srdreg.scid  }
0x8b: {  	s0 =	sand.u32 $0x1, s1  }
0x8c: {  	s17 =	sshll.u32 s0, $0xA;
	s2 =	sadd.s32 s3, s2  }
0x8d: {  	s2 =	sadd.s32 s2, s17  }
0x8e: {  	[smem:$0x3FC4] =	sst s2  }
0x8f: {  	_ = 	snop  }
0x90: {  	s2 =	sld [smem:$0x3FD0];
	(tm) =	ssettm $0x1  }
0x91: {  	s18 =	sld [smem:$0x3FFB];
	_ =	sdelay $0x3  }
0x92: {  	_ =	strace s18  }
0x93: {  	s3 =	sld [smem:$0x3FFC];
	_ =	sdelay $0x3  }
0x94: {  	_ =	strace s3  }
0x95: {  	s3 =	sld [smem:$0x3FFD];
	_ =	sdelay $0x3  }
0x96: {  	_ =	strace s3  }
0x97: {  	_ =	strace $0x8FFFFFFF  }
0x98: {  	s19 =	sld [smem:$0x3FDB];
	_ =	sdelay $0x1  }
0x99: {  	s4 =	simm.s32 $_scs_section_size  }
0x9a: {  	s5 =	simm.s32 $_size__tile_overlayer_lowered;
	s6 =	simm.s32 $_tile_overlayer_lowered  }
0x9b: {  	s22 =	simm.s32 $0x1BFF;
	s21 =	sshll.u32 s6, $0x1;
	s3 =	sadd.s32 s4, s19  }
0x9c: {  	s7 =	simm.s32 $0x0;
	s20 =	sshll.u32 s5, $0x1;
	s5 =	sadd.s32 s21, s3  }
0x9d: {  	[timem:s7], [sflag:s22] =	dma.local [hbm:s5], s20  }
0x9e: {  	_ =	swait.ge [sflag:s22], s20  }
0x9f: {  	s4 =	ssub.s32 $0x0, s20;
	[sflag:s22] =	ssyncset.done $0x0  }
0xa0: {  	[sflag:s22] =	ssyncadd.s32 s4;
	_ =	sdelay $0x1  }
0xa1: {  	s23 =	simm.s32 $0x1B8B  }
0xa2: {  	_ =	swait.ge [sflag:s23], $0x1  }
0xa3: {  	[sflag:s23] =	ssyncset.done $0x0  }
0xa4: {  	s25 =	simm.s32 $0x1B8E;
	s24 =	sld [smem:$0x3FFE];
	[sflag:s23] =	ssyncadd.s32 $0xFFFFFFFF  }
0xa5: {  	s26 =	simm.s32 $execute0_lowered;
	[smem:$0x3FD2] =	sst s25  }
0xa6: {  	s5 =	sshll.u32 s26, $0x1;
	_ =	strace $0x80000046;
	[dreg:$0x1] =	wrdreg $0xFFFFFFFF  }
0xa7: {  	s28 =	simm.s32 $_size_execute0_lowered;
	s3 =	sadd.s32 s3, s5;
	[dreg:$0x0] =	wrdreg $0x0  }
0xa8: {  	s5 =	sshll.u32 s28, $0x1;
	[dreg:$0x2] =	wrdreg s3  }
0xa9: {  	[dreg:$0x3] =	wrdreg s5  }
0xaa: {  	[dreg:$0x4] =	wrdreg $0xC0  }
0xab: {  	_ =	task [dreg:s7], $0x5FFFF  }
0xac: {  	[dreg:$0x1] =	wrdreg $0xFFFFFFFF  }
0xad: {  	[dreg:$0x0] =	wrdreg $0x60  }
0xae: {  	[dreg:$0x2] =	wrdreg s2  }
0xaf: {  	[dreg:$0x3] =	wrdreg s24  }
0xb0: {  	[dreg:$0x4] =	wrdreg $0x9  }
0xb1: {  	_ =	task.clear_ibuf [dreg:s7], $0x5FFFF;
	_ =	strace $0x90000046  }
0xb2: {  	s29 =	simm.s32 $0x9;
	_ =	strace $0x80000048  }
0xb3: {  	_ =	swait.ge [sflag:s29], $0x1  }
0xb4: {  	[sflag:s29] =	ssyncadd.s32 $0xFFFFFFFF  }
0xb5: {  	_ =	strace $0x90000048  }
0xb6: {  	_ =	sfence  }
0xb7: {  	s30 =	sld [smem:$0x0];
	_ =	sdelay $0x2  }
0xb8: {  	s31 =	sshll.u32 s1, $0xD;
	s1 =	sshrl.u32 s1, $0x2  }
0xb9: {  	s3 =	sand.u32 $0x4000, s31;
	s1 =	sadd.s32 s1, s30  }
0xba: {  	s0 =	sor.u32 s3, s0;
	s1 =	sshll.u32 s1, $0x11  }
0xbb: {  	s0 =	sor.u32 s1, s0  }
0xbc: {  	s0 =	sadd.s32 $0x8F2B, s0  }
0xbd: {  	[sflag:s0] =	ssyncadd.remote.s32 $0x1  }
0xbe: {  	_ =	sfence.sel $0xFFFF  }
0xbf: {  	[dreg:$0x0] =	wrdreg $0xFFFFFFFF;
	(pc) =	sbr.abs _section_cstart, $3  }
0xc0: {  	[dreg:$0x1] =	wrdreg $0xFFFFFFFF  }
0xc1: {  	_ =	task.clear_ibuf [dreg:s7], $0x2FFFF;
	_ =	strace $0x9FFFFFFF  }
0xc2: {  	(tm) =	ssettm $0x7FFFFFFF  }
0xc3: {  	_ =	shalt  }
tec
execute0_lowered:
.L_overlay_start_1:
0x0: {  	(tag) =	ssettag $0x1  }
0x1: {  	s5 =	rddreg [dreg:$0x0]  }
0x2: {  	s6 =	rddreg [dreg:$0x1]  }
0x3: {  	s0 =	rddreg [dreg:$0x2];
	s2 =	simm.s32 $0x0;
	s3 =	srdreg.scid  }
0x4: {  	s1 =	stileid.u32;
	s10 =	simm.s32 $0x80;
	s11 =	simm.s32 $0x200  }
0x5: {  	s12 =	simm.s32 $0x280;
	s13 =	simm.s32 $0x100;
	s14 =	simm.s32 $0x300  }
0x6: {  	s15 =	simm.s32 $0x180;
	s16 =	simm.s32 $0x380;
	s17 =	simm.s32 $0x1  }
0x7: {  	s18 =	simm.s32 $0x2;
	[smem:$0x7FF] =	sst s2;
	s4 =	sand.u32 $0x1, s3  }
0x8: {  	s7 =	sshll.u32 s1, $0x7;
	s3 =	sadd.s32 $0xC00, s6;
	s8 =	sshll.u32 s4, $0x6  }
0x9: {  	_ =	strace $0x80000047;
	s31 =	ssub.s32 $0x2, s4;
	s7 =	sor.u32 s8, s7  }
0xa: {  	s4 =	sadd.s32 $0x1F600, s6;
	s9 =	sshrl.u32 s31, $0x1;
	s6 =	sadd.s32 s7, s6  }
0xb: {  	s8 =	ssub.s32 s31, s9;
	s5 =	sadd.s32 s5, s7;
	s9 =	simm.s32 $0x3  }
0xc: {  	s6 =	sadd.s32 $0x1F800, s6;
	s7 =	smax.u32 s8, $0x1;
	s8 =	simm.s32 $0x400  }
.LBB2_1:
0xd: {  	[tilespmem:s8], [sflag:$0x2] =	stream.linear.gather [hbm4b:s4+s2], $0x80, $0x38;
	[tilespmem:$0x480] =	vst v63  }
0xe: {  	_ = 	snop  }
0xf: {  	[tilespmem:s2], [sflag:$0x3] =	stream.linear.gather [hbm4b:s5+s2], $0x200, $0x38;
	[tilespmem:$0x480] =	vst v63  }
0x10: {  	_ =	swait.ge [sflag:s9], $0x200  }
0x11: {  	[sflag:s9] =	ssyncset.done $0x0  }
0x12: {  	[sflag:s9] =	ssyncadd.s32 $0xFFFFFE00  }
0x13: {  	[tilespmem:s11], [sflag:$0x1] =	stream.indirect.gather [hbm4b:s3+s10], $0x1, s2, s10, $0xb8;
	[tilespmem:$0x480] =	vst v63  }
0x14: {  	_ = 	snop  }
0x15: {  	[tilespmem:s12], [sflag:$0x1] =	stream.indirect.gather [hbm4b:s3+s10], $0x1, s10, s10, $0xb8;
	[tilespmem:$0x480] =	vst v63  }
0x16: {  	_ = 	snop  }
0x17: {  	[tilespmem:s14], [sflag:$0x1] =	stream.indirect.gather [hbm4b:s3+s10], $0x1, s13, s10, $0xb8;
	[tilespmem:$0x480] =	vst v63  }
0x18: {  	_ = 	snop  }
0x19: {  	[tilespmem:s16], [sflag:$0x1] =	stream.indirect.gather [hbm4b:s3+s10], $0x1, s15, s10, $0xb8;
	[tilespmem:$0x480] =	vst v63  }
0x1a: {  	_ =	swait.ge [sflag:s17], $0x80  }
0x1b: {  	[sflag:s17] =	ssyncset.done $0x0  }
0x1c: {  	[sflag:s17] =	ssyncadd.s32 $0xFFFFFF80  }
0x1d: {  	_ =	swait.ge [sflag:s17], $0x80  }
0x1e: {  	[sflag:s17] =	ssyncset.done $0x0  }
0x1f: {  	[sflag:s17] =	ssyncadd.s32 $0xFFFFFF80  }
0x20: {  	_ =	swait.ge [sflag:s17], $0x80  }
0x21: {  	[sflag:s17] =	ssyncset.done $0x0  }
0x22: {  	[sflag:s17] =	ssyncadd.s32 $0xFFFFFF80  }
0x23: {  	_ =	swait.ge [sflag:s17], $0x80  }
0x24: {  	[sflag:s17] =	ssyncset.done $0x0  }
0x25: {  	[sflag:s17] =	ssyncadd.s32 $0xFFFFFF80  }
0x26: {  	_ =	swait.ge [sflag:s18], $0x80  }
0x27: {  	[sflag:s18] =	ssyncset.done $0x0  }
0x28: {  	[sflag:s18] =	ssyncadd.s32 $0xFFFFFF80  }
0x29: {  	v0 =	vld [tilespmem:$0x400]  }
0x2a: {  	v1 =	vld [tilespmem:$0x200]  }
0x2b: {  	v2 =	vld [tilespmem:$0x210]  }
0x2c: {  	v3 =	vld [tilespmem:$0x220]  }
0x2d: {  	v4 =	vld [tilespmem:$0x230]  }
0x2e: {  	v5 =	vld [tilespmem:$0x240]  }
0x2f: {  	v6 =	vld [tilespmem:$0x250];
	v1 =	vadd.f32 v1, v0  }
0x30: {  	v7 =	vld [tilespmem:$0x260];
	v2 =	vadd.f32 v2, v0  }
0x31: {  	v11 =	vld [tilespmem:$0x270];
	v10 =	vadd.f32 v3, v0;
	[tilespmem:$0x200] =	vst v1  }
0x32: {  	v13 =	vld [tilespmem:$0x280];
	v12 =	vadd.f32 v4, v0;
	[tilespmem:$0x210] =	vst v2  }
0x33: {  	v15 =	vld [tilespmem:$0x290];
	v14 =	vadd.f32 v5, v0;
	[tilespmem:$0x220] =	vst v10  }
0x34: {  	v17 =	vld [tilespmem:$0x2A0];
	v16 =	vadd.f32 v6, v0;
	[tilespmem:$0x230] =	vst v12  }
0x35: {  	v19 =	vld [tilespmem:$0x2B0];
	v18 =	vadd.f32 v7, v0;
	[tilespmem:$0x240] =	vst v14  }
0x36: {  	v21 =	vld [tilespmem:$0x2C0];
	v20 =	vadd.f32 v11, v0;
	[tilespmem:$0x250] =	vst v16  }
0x37: {  	v23 =	vld [tilespmem:$0x2D0];
	v22 =	vadd.f32 v13, v0;
	[tilespmem:$0x260] =	vst v18  }
0x38: {  	v25 =	vld [tilespmem:$0x2E0];
	v24 =	vadd.f32 v15, v0;
	[tilespmem:$0x270] =	vst v20  }
0x39: {  	v27 =	vld [tilespmem:$0x2F0];
	v26 =	vadd.f32 v17, v0;
	[tilespmem:$0x280] =	vst v22  }
0x3a: {  	v29 =	vld [tilespmem:$0x300];
	v28 =	vadd.f32 v19, v0;
	[tilespmem:$0x290] =	vst v24  }
0x3b: {  	v31 =	vld [tilespmem:$0x310];
	v30 =	vadd.f32 v21, v0;
	[tilespmem:$0x2A0] =	vst v26  }
0x3c: {  	v33 =	vld [tilespmem:$0x320];
	v32 =	vadd.f32 v23, v0;
	[tilespmem:$0x2B0] =	vst v28  }
0x3d: {  	v35 =	vld [tilespmem:$0x330];
	v34 =	vadd.f32 v25, v0;
	[tilespmem:$0x2C0] =	vst v30  }
0x3e: {  	v37 =	vld [tilespmem:$0x340];
	v36 =	vadd.f32 v27, v0;
	[tilespmem:$0x2D0] =	vst v32  }
0x3f: {  	v39 =	vld [tilespmem:$0x350];
	v38 =	vadd.f32 v29, v0;
	[tilespmem:$0x2E0] =	vst v34  }
0x40: {  	v41 =	vld [tilespmem:$0x360];
	v40 =	vadd.f32 v31, v0;
	[tilespmem:$0x2F0] =	vst v36  }
0x41: {  	v43 =	vld [tilespmem:$0x370];
	v42 =	vadd.f32 v33, v0;
	[tilespmem:$0x300] =	vst v38  }
0x42: {  	v45 =	vld [tilespmem:$0x380];
	v44 =	vadd.f32 v35, v0;
	[tilespmem:$0x310] =	vst v40  }
0x43: {  	v47 =	vld [tilespmem:$0x390];
	v46 =	vadd.f32 v37, v0;
	[tilespmem:$0x320] =	vst v42  }
0x44: {  	v49 =	vld [tilespmem:$0x3A0];
	v48 =	vadd.f32 v39, v0;
	[tilespmem:$0x330] =	vst v44  }
0x45: {  	v51 =	vld [tilespmem:$0x3B0];
	v50 =	vadd.f32 v41, v0;
	[tilespmem:$0x340] =	vst v46  }
0x46: {  	v53 =	vld [tilespmem:$0x3C0];
	v52 =	vadd.f32 v43, v0;
	[tilespmem:$0x350] =	vst v48  }
0x47: {  	v55 =	vld [tilespmem:$0x3D0];
	v54 =	vadd.f32 v45, v0;
	[tilespmem:$0x360] =	vst v50  }
0x48: {  	v57 =	vld [tilespmem:$0x3E0];
	v56 =	vadd.f32 v47, v0;
	[tilespmem:$0x370] =	vst v52  }
0x49: {  	v59 =	vld [tilespmem:$0x3F0];
	v58 =	vadd.f32 v49, v0;
	[tilespmem:$0x380] =	vst v54  }
0x4a: {  	v60 =	vadd.f32 v51, v0;
	[tilespmem:$0x390] =	vst v56  }
0x4b: {  	v61 =	vadd.f32 v53, v0;
	[tilespmem:$0x3A0] =	vst v58  }
0x4c: {  	v62 =	vadd.f32 v55, v0;
	[tilespmem:$0x3B0] =	vst v60  }
0x4d: {  	v63 =	vadd.f32 v57, v0;
	[tilespmem:$0x3C0] =	vst v61  }
0x4e: {  	v0 =	vadd.f32 v59, v0;
	[tilespmem:$0x3D0] =	vst v62  }
0x4f: {  	p0 =	sne.s32 s7, $0x1;
	[tilespmem:$0x3E0] =	vst v63  }
.Ltmp0:
0x50: {  	[tilespmem:$0x3F0] =	vst v0;
	(pc) =	sbr.rel @p0 .LBB2_1-.Ltmp0, $4  }
0x51: {  	[hbm4b:s6+s2] =	stream.linear.scatter [tilespmem:s11], [sflag:$0x3], $0x200, $0x38;
	[tilespmem:$0x480] =	vst v63  }
0x52: {  	_ =	swait.ge [sflag:s9], $0x200  }
0x53: {  	[sflag:s9] =	ssyncset.done $0x0  }
0x54: {  	s7 =	sadd.s32 $0xFFFFFFFF, s7;
	[sflag:s9] =	ssyncadd.s32 $0xFFFFFE00  }
0x55: {  	_ =	sfence.sel $0x180000  }
0x56: {  	[bflag:$0x0] =	sbarrier.arrive $0xFFFF  }
0x57: {  	p0 =	sne.s32 s1, $0x0;
	_ =	strace $0x90000047  }
0x58: {  	s0 =	sadd.s32 @!p0 $0x100000, s0;
	[bflag:$0x2] =	sbarrier.arrive $0xFFFF  }
0x59: {  	[sflag:s0] =	ssyncadd.tile.s32 @!p0 $0x1;
	_ =	shalt  }
.Lfunc_end2:
_tile_overlayer_lowered:
.L_overlay_start_2:
0x5a: {  	(tag) =	ssettag $0x2  }
0x5b: {  	s0 =	rddreg [dreg:$0x0];
	s2 =	stileid.u32  }
0x5c: {  	s1 =	rddreg [dreg:$0x1];
	p0 =	sne.s32 s2, $0x0  }
0x5d: {  	s3 =	rddreg [dreg:$0x2];
	[bflag:$0x3] =	sbarrier.arrive $0xFFFF;
	s2 =	simm.s32 @!p0 $0x1C03  }
0x5e: {  	[timem:s3], [sflag:s2] =	dma.local @!p0 [hbm:s0], s1  }
0x5f: {  	s0 =	simm.s32 @!p0 $0x3  }
0x60: {  	_ =	swait.ge @!p0 [sflag:s0], s1  }
0x61: {  	s1 =	ssub.s32 @!p0 $0x0, s1;
	[sflag:s0] =	ssyncset.done @!p0 $0x0  }
0x62: {  	[sflag:s0] =	ssyncadd.s32 @!p0 s1  }
0x63: {  	[bflag:$0x3] =	sbarrier.arrive $0xFFFF  }
0x64: {  	_ =	shalt  }

// kernel: _run.7.cloned.1.call-start
scs
__scs_entry_jumppad:
0x0: {  	(pc) =	sbr.rel $0x88, $3  }
0x1: {  	(tag) =	ssettag $0x0;
	lr =	simm.s32 $0x1  }
0x2: {  	[smem:$0x3F9D] =	sst lr;
	_ =	strace $0xD0000000  }
0x3: {  	_ = 	snop  }
0x4: {  	_ = 	snop  }
0x5: {  	_ = 	snop  }
0x6: {  	_ = 	snop  }
0x7: {  	_ = 	snop  }
__scs_overlays_trampoline_lowered:
0x8: {  	[smem:$0x3FAC] =	sst s0  }
0x9: {  	[smem:$0x3FAD] =	sst s1  }
0xa: {  	[smem:$0x3FAE] =	sst s2  }
0xb: {  	[smem:$0x3FAF] =	sst s3  }
0xc: {  	[smem:$0x3FB0] =	sst s4  }
0xd: {  	[smem:$0x3FB1] =	sst s5  }
0xe: {  	[smem:$0x3FB2] =	sst s6  }
0xf: {  	[smem:$0x3FB3] =	sst s7  }
0x10: {  	[smem:$0x3FB4] =	sst s8  }
0x11: {  	[smem:$0x3FB5] =	sst s9;
	s0 =	simm.s32 @!p0 $0x0  }
0x12: {  	s1 =	sld [smem:$0x3F9B];
	s0 =	simm.s32 @p0 $0x1  }
0x13: {  	[smem:$0x3FB6] =	sst s0;
	s0 =	simm.s32 @!p1 $0x0  }
0x14: {  	s2 =	sld [smem:$0x3F9A];
	s0 =	simm.s32 @p1 $0x1  }
0x15: {  	[smem:$0x3FB7] =	sst s0;
	s0 =	simm.s32 @!p2 $0x0  }
0x16: {  	s3 =	sld [smem:$0x3FDB];
	s0 =	simm.s32 @p2 $0x1  }
0x17: {  	s4 =	simm.s32 $0x1BF5;
	[smem:$0x3FB9] =	sst s0  }
0x18: {  	s0 =	sld [smem:$0x3F9C];
	_ =	swait.ge [sflag:s4], $0x0  }
0x19: {  	s7 =	sld [smem:$0x3F9D]  }
0x1a: {  	s8 =	sadd.s32 $0xFFFFE003, lr  }
0x1b: {  	s9 =	sadd.s32 $0xFFFFFEF7, lr;
	s5 =	simm.s32 $0xFFFFFFFF;
	p2 =	slt.u32 s8, $0xFFFFF086  }
0x1c: {  	p1 =	slt.u32 s9, $0xF7A;
	s5 =	simm.s32 @!p2 $0x0  }
0x1d: {  	s5 =	simm.s32 @p1 $0x1;
	p0 =	seq.s32 s7, s2  }
0x1e: {  	s7 =	smul.u32 @!p0 $0xF7A, s2;
	p2 =	seq.s32 @!p0 s5, $0x0  }
0x1f: {  	s9 =	smul.u32 $0xF7A, s1;
	s8 =	simm.s32 @!p0 $0x1BF5;
	p2 =	por !p2, p0  }
0x20: {  	[sflag:s8] =	ssyncset.s32 @!p0 $0xFFFFF086;
	s6 =	sadd.s32 @!p0 s3, s7;
	s7 =	simm.s32 @!p0 $0x108  }
0x21: {  	s3 =	sadd.s32 s3, s9;
	s6 =	sadd.s32 @!p0 $0x88, s6;
	s7 =	simm.s32 @p2 $0x1082  }
0x22: {  	[simem:s7], [sflag:s8] =	dma.local @!p0 [hbm:s6], $0xF7A  }
0x23: {  	s9 =	sor.u32 $0xD0000000, s2;
	s6 =	simm.s32 $0x108;
	_ =	swait.ge @!p0 [sflag:s8], $0x0  }
0x24: {  	s3 =	sadd.s32 $0x88, s3;
	s6 =	simm.s32 @!p1 $0x1082;
	[sflag:s4] =	ssyncset.s32 $0xFFFFF086  }
0x25: {  	[simem:s6], [sflag:s4] =	dma.local [hbm:s3], $0xF7A  }
0x26: {  	[smem:$0x3F9D] =	sst s1;
	(tag) =	ssettag s2;
	_ =	strace s9  }
0x27: {  	s1 =	sld [smem:$0x3FAD]  }
0x28: {  	s2 =	sld [smem:$0x3FAE]  }
0x29: {  	s4 =	sld [smem:$0x3FB0]  }
0x2a: {  	p0 =	seq.s32 s5, $0x0;
	s5 =	sld [smem:$0x3FB1]  }
0x2b: {  	s6 =	sld [smem:$0x3FB2]  }
0x2c: {  	s7 =	sld [smem:$0x3FB3]  }
0x2d: {  	s3 =	simm.s32 $0x108;
	s8 =	sld [smem:$0x3FB4]  }
0x2e: {  	s3 =	simm.s32 @!p0 $0x1082;
	s9 =	sld [smem:$0x3FB5]  }
0x2f: {  	lr =	sadd.s32 s0, s3;
	s0 =	sld [smem:$0x3FAC]  }
0x30: {  	s3 =	sld [smem:$0x3FAF]  }
0x31: {  	[smem:$0x3FB8] =	sst s10  }
0x32: {  	s10 =	sld [smem:$0x3FB6];
	_ =	sdelay $0x3  }
0x33: {  	p0 =	seq.s32 s10, $0x1;
	s10 =	sld [smem:$0x3FB8];
	_ =	sdelay $0x3  }
0x34: {  	[smem:$0x3FB8] =	sst s10  }
0x35: {  	s10 =	sld [smem:$0x3FB7];
	_ =	sdelay $0x3  }
0x36: {  	p1 =	seq.s32 s10, $0x1;
	s10 =	sld [smem:$0x3FB8];
	_ =	sdelay $0x3  }
0x37: {  	[smem:$0x3FB8] =	sst s10  }
0x38: {  	s10 =	sld [smem:$0x3FB9]  }
0x39: {  	_ = 	snop;
	(pc) =	sbr.ind lr, $3  }
0x3a: {  	_ = 	snop  }
0x3b: {  	_ = 	snop  }
0x3c: {  	p2 =	seq.s32 s10, $0x1;
	s10 =	sld [smem:$0x3FB8]  }
0x3d: {  	_ =	shalt  }
0x3e: {  	_ =	shalt  }
0x3f: {  	_ =	shalt  }
0x40: {  	_ =	shalt  }
0x41: {  	_ =	shalt  }
0x42: {  	_ =	shalt  }
0x43: {  	_ =	shalt  }
0x44: {  	_ =	shalt  }
0x45: {  	_ =	shalt  }
0x46: {  	_ =	shalt  }
0x47: {  	_ =	shalt  }
0x48: {  	_ =	shalt  }
0x49: {  	_ =	shalt  }
0x4a: {  	_ =	shalt  }
0x4b: {  	_ =	shalt  }
0x4c: {  	_ =	shalt  }
0x4d: {  	_ =	shalt  }
0x4e: {  	_ =	shalt  }
0x4f: {  	_ =	shalt  }
0x50: {  	_ =	shalt  }
0x51: {  	_ =	shalt  }
0x52: {  	_ =	shalt  }
0x53: {  	_ =	shalt  }
0x54: {  	_ =	shalt  }
0x55: {  	_ =	shalt  }
0x56: {  	_ =	shalt  }
0x57: {  	_ =	shalt  }
0x58: {  	_ =	shalt  }
0x59: {  	_ =	shalt  }
0x5a: {  	_ =	shalt  }
0x5b: {  	_ =	shalt  }
0x5c: {  	_ =	shalt  }
0x5d: {  	_ =	shalt  }
0x5e: {  	_ =	shalt  }
0x5f: {  	_ =	shalt  }
0x60: {  	_ =	shalt  }
0x61: {  	_ =	shalt  }
0x62: {  	_ =	shalt  }
0x63: {  	_ =	shalt  }
0x64: {  	_ =	shalt  }
0x65: {  	_ =	shalt  }
0x66: {  	_ =	shalt  }
0x67: {  	_ =	shalt  }
0x68: {  	_ =	shalt  }
0x69: {  	_ =	shalt  }
0x6a: {  	_ =	shalt  }
0x6b: {  	_ =	shalt  }
0x6c: {  	_ =	shalt  }
0x6d: {  	_ =	shalt  }
0x6e: {  	_ =	shalt  }
0x6f: {  	_ =	shalt  }
0x70: {  	_ =	shalt  }
0x71: {  	_ =	shalt  }
0x72: {  	_ =	shalt  }
0x73: {  	_ =	shalt  }
0x74: {  	_ =	shalt  }
0x75: {  	_ =	shalt  }
0x76: {  	_ =	shalt  }
0x77: {  	_ =	shalt  }
0x78: {  	_ =	shalt  }
0x79: {  	_ =	shalt  }
0x7a: {  	_ =	shalt  }
0x7b: {  	_ =	shalt  }
0x7c: {  	_ =	shalt  }
0x7d: {  	_ =	shalt  }
0x7e: {  	_ =	shalt  }
0x7f: {  	_ =	shalt  }
0x80: {  	_ =	shalt  }
0x81: {  	_ =	shalt  }
0x82: {  	_ =	shalt  }
0x83: {  	_ =	shalt  }
0x84: {  	_ =	shalt  }
0x85: {  	_ =	shalt  }
0x86: {  	_ =	shalt  }
0x87: {  	_ =	shalt  }
.Lfunc_end0:
.L_simem_size_0:
called_computation.1_lowered:
.L_overlay_start_0:
0x88: {  	s2 =	sld [smem:$0x3FD9]  }
0x89: {  	s3 =	sld [smem:$0x3FFE];
	_ =	sdelay $0x1  }
0x8a: {  	s1 =	srdreg.scid  }
0x8b: {  	s0 =	sand.u32 $0x1, s1  }
0x8c: {  	s17 =	sshll.u32 s0, $0xA;
	s2 =	sadd.s32 s3, s2  }
0x8d: {  	s2 =	sadd.s32 s2, s17  }
0x8e: {  	[smem:$0x3FC4] =	sst s2  }
0x8f: {  	_ = 	snop  }
0x90: {  	s2 =	sld [smem:$0x3FD0];
	(tm) =	ssettm $0x1  }
0x91: {  	s18 =	sld [smem:$0x3FFB];
	_ =	sdelay $0x3  }
0x92: {  	_ =	strace s18  }
0x93: {  	s3 =	sld [smem:$0x3FFC];
	_ =	sdelay $0x3  }
0x94: {  	_ =	strace s3  }
0x95: {  	s3 =	sld [smem:$0x3FFD];
	_ =	sdelay $0x3  }
0x96: {  	_ =	strace s3  }
0x97: {  	_ =	strace $0x8FFFFFFF  }
0x98: {  	s19 =	sld [smem:$0x3FDB];
	_ =	sdelay $0x1  }
0x99: {  	s4 =	simm.s32 $_scs_section_size  }
0x9a: {  	s5 =	simm.s32 $_size__tile_overlayer_lowered;
	s6 =	simm.s32 $_tile_overlayer_lowered  }
0x9b: {  	s22 =	simm.s32 $0x1BFF;
	s21 =	sshll.u32 s6, $0x1;
	s3 =	sadd.s32 s4, s19  }
0x9c: {  	s7 =	simm.s32 $0x0;
	s20 =	sshll.u32 s5, $0x1;
	s5 =	sadd.s32 s21, s3  }
0x9d: {  	[timem:s7], [sflag:s22] =	dma.local [hbm:s5], s20  }
0x9e: {  	_ =	swait.ge [sflag:s22], s20  }
0x9f: {  	s4 =	ssub.s32 $0x0, s20;
	[sflag:s22] =	ssyncset.done $0x0  }
0xa0: {  	[sflag:s22] =	ssyncadd.s32 s4;
	_ =	sdelay $0x1  }
0xa1: {  	s23 =	simm.s32 $0x1B8B  }
0xa2: {  	_ =	swait.ge [sflag:s23], $0x1  }
0xa3: {  	[sflag:s23] =	ssyncset.done $0x0  }
0xa4: {  	s25 =	simm.s32 $0x1B8E;
	s24 =	sld [smem:$0x3FFE];
	[sflag:s23] =	ssyncadd.s32 $0xFFFFFFFF  }
0xa5: {  	s26 =	simm.s32 $execute0_lowered;
	[smem:$0x3FD2] =	sst s25  }
0xa6: {  	s5 =	sshll.u32 s26, $0x1;
	_ =	strace $0x80000049;
	[dreg:$0x1] =	wrdreg $0xFFFFFFFF  }
0xa7: {  	s28 =	simm.s32 $_size_execute0_lowered;
	s3 =	sadd.s32 s3, s5;
	[dreg:$0x0] =	wrdreg $0x0  }
0xa8: {  	s5 =	sshll.u32 s28, $0x1;
	[dreg:$0x2] =	wrdreg s3  }
0xa9: {  	[dreg:$0x3] =	wrdreg s5  }
0xaa: {  	[dreg:$0x4] =	wrdreg $0xC0  }
0xab: {  	_ =	task [dreg:s7], $0x5FFFF  }
0xac: {  	[dreg:$0x1] =	wrdreg $0xFFFFFFFF  }
0xad: {  	[dreg:$0x0] =	wrdreg $0x60  }
0xae: {  	[dreg:$0x2] =	wrdreg s24  }
0xaf: {  	[dreg:$0x3] =	wrdreg s2  }
0xb0: {  	[dreg:$0x4] =	wrdreg $0x9  }
0xb1: {  	_ =	task.clear_ibuf [dreg:s7], $0x5FFFF;
	_ =	strace $0x90000049  }
0xb2: {  	s29 =	simm.s32 $0x9;
	_ =	strace $0x8000004B  }
0xb3: {  	_ =	swait.ge [sflag:s29], $0x1  }
0xb4: {  	[sflag:s29] =	ssyncadd.s32 $0xFFFFFFFF  }
0xb5: {  	_ =	strace $0x9000004B  }
0xb6: {  	_ =	sfence  }
0xb7: {  	s30 =	sld [smem:$0x0];
	_ =	sdelay $0x2  }
0xb8: {  	s31 =	sshll.u32 s1, $0xD;
	s1 =	sshrl.u32 s1, $0x2  }
0xb9: {  	s3 =	sand.u32 $0x4000, s31;
	s1 =	sadd.s32 s1, s30  }
0xba: {  	s0 =	sor.u32 s3, s0;
	s1 =	sshll.u32 s1, $0x11  }
0xbb: {  	s0 =	sor.u32 s1, s0  }
0xbc: {  	s0 =	sadd.s32 $0x8F2B, s0  }
0xbd: {  	[sflag:s0] =	ssyncadd.remote.s32 $0x1  }
0xbe: {  	_ =	sfence.sel $0xFFFF  }
0xbf: {  	[dreg:$0x0] =	wrdreg $0xFFFFFFFF;
	(pc) =	sbr.abs _section_cstart, $3  }
0xc0: {  	[dreg:$0x1] =	wrdreg $0xFFFFFFFF  }
0xc1: {  	_ =	task.clear_ibuf [dreg:s7], $0x2FFFF;
	_ =	strace $0x9FFFFFFF  }
0xc2: {  	(tm) =	ssettm $0x7FFFFFFF  }
0xc3: {  	_ =	shalt  }
tec
execute0_lowered:
.L_overlay_start_1:
0x0: {  	(tag) =	ssettag $0x1  }
0x1: {  	s3 =	rddreg [dreg:$0x0]  }
0x2: {  	s6 =	rddreg [dreg:$0x1]  }
0x3: {  	s0 =	rddreg [dreg:$0x2];
	s2 =	simm.s32 $0x0;
	s4 =	srdreg.scid  }
0x4: {  	s1 =	stileid.u32;
	s10 =	simm.s32 $0x80;
	s11 =	simm.s32 $0x200  }
0x5: {  	s12 =	simm.s32 $0x280;
	s13 =	simm.s32 $0x100;
	s14 =	simm.s32 $0x300  }
0x6: {  	s15 =	simm.s32 $0x180;
	s16 =	simm.s32 $0x380;
	s17 =	simm.s32 $0x1  }
0x7: {  	s18 =	simm.s32 $0x2;
	[smem:$0x7FF] =	sst s2;
	s4 =	sand.u32 $0x1, s4  }
0x8: {  	s5 =	sshll.u32 s1, $0x7;
	s7 =	sshll.u32 s4, $0x6;
	s4 =	ssub.s32 $0x2, s4  }
0x9: {  	_ =	strace $0x8000004A;
	s7 =	sor.u32 s7, s5;
	s31 =	sshrl.u32 s4, $0x1  }
0xa: {  	s8 =	sadd.s32 s7, s3;
	s3 =	sadd.s32 $0x20000, s3;
	s9 =	ssub.s32 s4, s31  }
0xb: {  	s6 =	sadd.s32 s6, s7;
	s4 =	sadd.s32 $0x1F800, s8;
	s5 =	sadd.s32 $0x400, s8  }
0xc: {  	s7 =	smax.u32 s9, $0x1;
	s8 =	simm.s32 $0x400;
	s9 =	simm.s32 $0x3  }
.LBB2_1:
0xd: {  	[tilespmem:s8], [sflag:$0x2] =	stream.linear.gather [hbm4b:s4+s2], $0x200, $0x38;
	[tilespmem:$0x600] =	vst v63  }
0xe: {  	_ = 	snop  }
0xf: {  	[tilespmem:s2], [sflag:$0x3] =	stream.linear.gather [hbm4b:s5+s2], $0x200, $0x38;
	[tilespmem:$0x600] =	vst v63  }
0x10: {  	_ =	swait.ge [sflag:s9], $0x200  }
0x11: {  	[sflag:s9] =	ssyncset.done $0x0  }
0x12: {  	[sflag:s9] =	ssyncadd.s32 $0xFFFFFE00  }
0x13: {  	[tilespmem:s11], [sflag:$0x1] =	stream.indirect.gather [hbm4b:s3+s10], $0x1, s2, s10, $0xb8;
	[tilespmem:$0x600] =	vst v63  }
0x14: {  	_ = 	snop  }
0x15: {  	[tilespmem:s12], [sflag:$0x1] =	stream.indirect.gather [hbm4b:s3+s10], $0x1, s10, s10, $0xb8;
	[tilespmem:$0x600] =	vst v63  }
0x16: {  	_ = 	snop  }
0x17: {  	[tilespmem:s14], [sflag:$0x1] =	stream.indirect.gather [hbm4b:s3+s10], $0x1, s13, s10, $0xb8;
	[tilespmem:$0x600] =	vst v63  }
0x18: {  	_ = 	snop  }
0x19: {  	[tilespmem:s16], [sflag:$0x1] =	stream.indirect.gather [hbm4b:s3+s10], $0x1, s15, s10, $0xb8;
	[tilespmem:$0x600] =	vst v63  }
0x1a: {  	_ =	swait.ge [sflag:s17], $0x80  }
0x1b: {  	[sflag:s17] =	ssyncset.done $0x0  }
0x1c: {  	[sflag:s17] =	ssyncadd.s32 $0xFFFFFF80  }
0x1d: {  	_ =	swait.ge [sflag:s17], $0x80  }
0x1e: {  	[sflag:s17] =	ssyncset.done $0x0  }
0x1f: {  	[sflag:s17] =	ssyncadd.s32 $0xFFFFFF80  }
0x20: {  	_ =	swait.ge [sflag:s17], $0x80  }
0x21: {  	[sflag:s17] =	ssyncset.done $0x0  }
0x22: {  	[sflag:s17] =	ssyncadd.s32 $0xFFFFFF80  }
0x23: {  	_ =	swait.ge [sflag:s17], $0x80  }
0x24: {  	[sflag:s17] =	ssyncset.done $0x0  }
0x25: {  	[sflag:s17] =	ssyncadd.s32 $0xFFFFFF80  }
0x26: {  	_ =	swait.ge [sflag:s18], $0x200  }
0x27: {  	[sflag:s18] =	ssyncset.done $0x0  }
0x28: {  	[sflag:s18] =	ssyncadd.s32 $0xFFFFFE00  }
0x29: {  	v0 =	vld [tilespmem:$0x200]  }
0x2a: {  	v1 =	vld [tilespmem:$0x400]  }
0x2b: {  	v2 =	vld [tilespmem:$0x210]  }
0x2c: {  	v3 =	vld [tilespmem:$0x410]  }
0x2d: {  	v4 =	vld [tilespmem:$0x220]  }
0x2e: {  	v5 =	vld [tilespmem:$0x420]  }
0x2f: {  	v6 =	vld [tilespmem:$0x230]  }
0x30: {  	v7 =	vld [tilespmem:$0x430]  }
0x31: {  	v8 =	vld [tilespmem:$0x240]  }
0x32: {  	v9 =	vld [tilespmem:$0x440]  }
0x33: {  	v10 =	vld [tilespmem:$0x250]  }
0x34: {  	v11 =	vld [tilespmem:$0x450]  }
0x35: {  	v12 =	vld [tilespmem:$0x260]  }
0x36: {  	v13 =	vld [tilespmem:$0x460]  }
0x37: {  	v14 =	vld [tilespmem:$0x270]  }
0x38: {  	v15 =	vld [tilespmem:$0x470]  }
0x39: {  	v16 =	vld [tilespmem:$0x280]  }
0x3a: {  	v17 =	vld [tilespmem:$0x480]  }
0x3b: {  	v18 =	vld [tilespmem:$0x290]  }
0x3c: {  	v19 =	vld [tilespmem:$0x490]  }
0x3d: {  	v20 =	vld [tilespmem:$0x2A0]  }
0x3e: {  	v21 =	vld [tilespmem:$0x4A0]  }
0x3f: {  	v22 =	vld [tilespmem:$0x2B0]  }
0x40: {  	v23 =	vld [tilespmem:$0x4B0]  }
0x41: {  	v24 =	vld [tilespmem:$0x2C0]  }
0x42: {  	v25 =	vld [tilespmem:$0x4C0]  }
0x43: {  	v26 =	vld [tilespmem:$0x2D0]  }
0x44: {  	v27 =	vld [tilespmem:$0x4D0]  }
0x45: {  	v28 =	vld [tilespmem:$0x2E0]  }
0x46: {  	v29 =	vld [tilespmem:$0x4E0]  }
0x47: {  	v30 =	vld [tilespmem:$0x2F0]  }
0x48: {  	v31 =	vld [tilespmem:$0x4F0]  }
0x49: {  	v32 =	vld [tilespmem:$0x300]  }
0x4a: {  	v33 =	vld [tilespmem:$0x500]  }
0x4b: {  	v34 =	vld [tilespmem:$0x310]  }
0x4c: {  	v35 =	vld [tilespmem:$0x510]  }
0x4d: {  	v36 =	vld [tilespmem:$0x320]  }
0x4e: {  	v46 =	vld [tilespmem:$0x520];
	v0 =	vadd.f32 v1, v0  }
0x4f: {  	v47 =	vld [tilespmem:$0x330];
	v2 =	vadd.f32 v3, v2  }
0x50: {  	v49 =	vld [tilespmem:$0x530];
	v48 =	vadd.f32 v5, v4;
	[tilespmem:$0x200] =	vst v0  }
0x51: {  	v51 =	vld [tilespmem:$0x340];
	v50 =	vadd.f32 v7, v6;
	[tilespmem:$0x210] =	vst v2  }
0x52: {  	v53 =	vld [tilespmem:$0x540];
	v52 =	vadd.f32 v9, v8;
	[tilespmem:$0x220] =	vst v48  }
0x53: {  	v55 =	vld [tilespmem:$0x350];
	v54 =	vadd.f32 v11, v10;
	[tilespmem:$0x230] =	vst v50  }
0x54: {  	v57 =	vld [tilespmem:$0x550];
	v56 =	vadd.f32 v13, v12;
	[tilespmem:$0x240] =	vst v52  }
0x55: {  	v59 =	vld [tilespmem:$0x360];
	v58 =	vadd.f32 v15, v14;
	[tilespmem:$0x250] =	vst v54  }
0x56: {  	v61 =	vld [tilespmem:$0x560];
	v60 =	vadd.f32 v17, v16;
	[tilespmem:$0x260] =	vst v56  }
0x57: {  	v63 =	vld [tilespmem:$0x370];
	v62 =	vadd.f32 v19, v18;
	[tilespmem:$0x270] =	vst v58  }
0x58: {  	v37 =	vld [tilespmem:$0x3A0];
	v20 =	vadd.f32 v21, v20;
	[tilespmem:$0x280] =	vst v60  }
0x59: {  	v39 =	vld [tilespmem:$0x5A0];
	v22 =	vadd.f32 v23, v22;
	[tilespmem:$0x290] =	vst v62  }
0x5a: {  	v41 =	vld [tilespmem:$0x3B0];
	v24 =	vadd.f32 v25, v24;
	[tilespmem:$0x2A0] =	vst v20  }
0x5b: {  	v43 =	vld [tilespmem:$0x5B0];
	v26 =	vadd.f32 v27, v26;
	[tilespmem:$0x2B0] =	vst v22  }
0x5c: {  	v45 =	vld [tilespmem:$0x3C0];
	v28 =	vadd.f32 v29, v28;
	[tilespmem:$0x2C0] =	vst v24  }
0x5d: {  	v21 =	vld [tilespmem:$0x570];
	v31 =	vadd.f32 v31, v30;
	[tilespmem:$0x2D0] =	vst v26  }
0x5e: {  	v23 =	vld [tilespmem:$0x380];
	v38 =	vadd.f32 v33, v32;
	[tilespmem:$0x2E0] =	vst v28  }
0x5f: {  	v25 =	vld [tilespmem:$0x580];
	v40 =	vadd.f32 v35, v34;
	[tilespmem:$0x2F0] =	vst v31  }
0x60: {  	v27 =	vld [tilespmem:$0x390];
	v42 =	vadd.f32 v46, v36;
	[tilespmem:$0x300] =	vst v38  }
0x61: {  	v29 =	vld [tilespmem:$0x590];
	v44 =	vadd.f32 v49, v47;
	[tilespmem:$0x310] =	vst v40  }
0x62: {  	v46 =	vadd.f32 v53, v51;
	v47 =	vld [tilespmem:$0x5C0];
	[tilespmem:$0x320] =	vst v42  }
0x63: {  	v49 =	vld [tilespmem:$0x3D0];
	v1 =	vadd.f32 v43, v41;
	[tilespmem:$0x330] =	vst v44  }
0x64: {  	v51 =	vld [tilespmem:$0x5D0];
	v48 =	vadd.f32 v57, v55;
	[tilespmem:$0x340] =	vst v46  }
0x65: {  	v53 =	vld [tilespmem:$0x3E0];
	v50 =	vadd.f32 v61, v59;
	[tilespmem:$0x3B0] =	vst v1  }
0x66: {  	v55 =	vld [tilespmem:$0x5E0];
	v58 =	vadd.f32 v39, v37;
	[tilespmem:$0x350] =	vst v48  }
0x67: {  	v57 =	vld [tilespmem:$0x3F0];
	[tilespmem:$0x360] =	vst v50;
	v52 =	vadd.f32 v21, v63  }
0x68: {  	v59 =	vld [tilespmem:$0x5F0];
	[tilespmem:$0x3A0] =	vst v58;
	v54 =	vadd.f32 v25, v23  }
0x69: {  	v56 =	vadd.f32 v29, v27;
	[tilespmem:$0x370] =	vst v52  }
0x6a: {  	v60 =	vadd.f32 v47, v45;
	[tilespmem:$0x380] =	vst v54  }
0x6b: {  	v61 =	vadd.f32 v51, v49;
	[tilespmem:$0x390] =	vst v56  }
0x6c: {  	[tilespmem:$0x3C0] =	vst v60;
	v62 =	vadd.f32 v55, v53  }
0x6d: {  	[tilespmem:$0x3D0] =	vst v61;
	v63 =	vadd.f32 v59, v57  }
0x6e: {  	p0 =	sne.s32 s7, $0x1;
	[tilespmem:$0x3E0] =	vst v62  }
.Ltmp0:
0x6f: {  	[tilespmem:$0x3F0] =	vst v63;
	(pc) =	sbr.rel @p0 .LBB2_1-.Ltmp0, $4  }
0x70: {  	[hbm4b:s6+s2] =	stream.linear.scatter [tilespmem:s11], [sflag:$0x3], $0x200, $0x38;
	[tilespmem:$0x600] =	vst v63  }
0x71: {  	_ =	swait.ge [sflag:s9], $0x200  }
0x72: {  	[sflag:s9] =	ssyncset.done $0x0  }
0x73: {  	s7 =	sadd.s32 $0xFFFFFFFF, s7;
	[sflag:s9] =	ssyncadd.s32 $0xFFFFFE00  }
0x74: {  	_ =	sfence.sel $0x180000  }
0x75: {  	[bflag:$0x0] =	sbarrier.arrive $0xFFFF  }
0x76: {  	p0 =	sne.s32 s1, $0x0;
	_ =	strace $0x9000004A  }
0x77: {  	s0 =	sadd.s32 @!p0 $0x100000, s0;
	[bflag:$0x2] =	sbarrier.arrive $0xFFFF  }
0x78: {  	[sflag:s0] =	ssyncadd.tile.s32 @!p0 $0x1;
	_ =	shalt  }
.Lfunc_end2:
_tile_overlayer_lowered:
.L_overlay_start_2:
0x79: {  	(tag) =	ssettag $0x2  }
0x7a: {  	s0 =	rddreg [dreg:$0x0];
	s2 =	stileid.u32  }
0x7b: {  	s1 =	rddreg [dreg:$0x1];
	p0 =	sne.s32 s2, $0x0  }
0x7c: {  	s3 =	rddreg [dreg:$0x2];
	[bflag:$0x3] =	sbarrier.arrive $0xFFFF;
	s2 =	simm.s32 @!p0 $0x1C03  }
0x7d: {  	[timem:s3], [sflag:s2] =	dma.local @!p0 [hbm:s0], s1  }
0x7e: {  	s0 =	simm.s32 @!p0 $0x3  }
0x7f: {  	_ =	swait.ge @!p0 [sflag:s0], s1  }
0x80: {  	s1 =	ssub.s32 @!p0 $0x0, s1;
	[sflag:s0] =	ssyncset.done @!p0 $0x0  }
0x81: {  	[sflag:s0] =	ssyncadd.s32 @!p0 s1  }
0x82: {  	[bflag:$0x3] =	sbarrier.arrive $0xFFFF  }
0x83: {  	_ =	shalt  }

</sc_bundles>
